<compile_context>
chip_gen: v7x
topology: tpu7x:2x2x1
jax: 0.10.2.dev20260603
libtpu: 0.0.44.dev20260713+nightly
codegen_flags: <defaults>
</compile_context>

<pallas_src>
import jax
import jax.numpy as jnp
from jax import lax
from jax.experimental import pallas as pl
from jax.experimental.pallas import tpu as pltpu
from jax.experimental.pallas import tpu_sc as plsc

N = 10000
E = 320000
D = 128
H = 32
C = 16

NC = 2
NS = 16
NW = NC * NS
B = 128
KCH = 80
EW = KCH * B
EPAD = NW * EW
NP = 10112
RT = NP // NS
W = 128


def _sc_mesh():
    return plsc.VectorSubcoreMesh(core_axis_name="c", subcore_axis_name="s")


def _deg_body(dst_hbm, ones_hbm, zeros_hbm, out_hbm, dst_v, ones_v, acc_sh, sem):
    cid = lax.axis_index("c")
    sid = lax.axis_index("s")
    wid = sid * NC + cid

    pltpu.sync_copy(zeros_hbm.at[pl.ds(sid * RT, RT)],
                    acc_sh.at[pl.ds(sid * RT, RT)])
    pltpu.sync_copy(dst_hbm.at[wid], dst_v)
    pltpu.sync_copy(ones_hbm, ones_v)
    plsc.subcore_barrier()

    def body(j, carry):
        pltpu.sync_copy(ones_v, acc_sh.at[dst_v.at[j]], add=True)
        return carry

    lax.fori_loop(0, KCH, body, 0)
    plsc.subcore_barrier()
    pltpu.sync_copy(acc_sh.at[pl.ds(sid * RT, RT)],
                    out_hbm.at[cid, pl.ds(sid * RT, RT)])


def _sc_deg(dst_p, onesW, zerosW):
    call = pl.kernel(
        _deg_body,
        out_type=jax.ShapeDtypeStruct((NC, NP, W), jnp.float32),
        mesh=_sc_mesh(),
        scratch_types=[
            pltpu.VMEM((KCH, B), jnp.int32),
            pltpu.VMEM((B, W), jnp.float32),
            pltpu.VMEM_SHARED((NP, W), jnp.float32),
            pltpu.SemaphoreType.DMA,
        ],
    )
    return call(dst_p, onesW, zerosW)


def _spmm_body(src_hbm, dst_hbm, feat_hbm, zeros_hbm, out_hbm,
               src_v, d0, d1, r0, r1, acc_sh, sd0, sd1, sg0, sg1):
    cid = lax.axis_index("c")
    sid = lax.axis_index("s")
    wid = sid * NC + cid

    pltpu.sync_copy(zeros_hbm.at[pl.ds(sid * RT, RT)],
                    acc_sh.at[pl.ds(sid * RT, RT)])
    pltpu.sync_copy(src_hbm.at[wid], src_v)
    plsc.subcore_barrier()

    def body(p, carry):
        j0 = 2 * p
        j1 = j0 + 1
        hd0 = pltpu.async_copy(dst_hbm.at[wid, j0], d0, sd0)
        hd1 = pltpu.async_copy(dst_hbm.at[wid, j1], d1, sd1)
        g0 = pltpu.async_copy(feat_hbm.at[src_v.at[j0]], r0, sg0)
        g1 = pltpu.async_copy(feat_hbm.at[src_v.at[j1]], r1, sg1)
        g0.wait()
        hd0.wait()
        pltpu.sync_copy(r0, acc_sh.at[d0], add=True)
        g1.wait()
        hd1.wait()
        pltpu.sync_copy(r1, acc_sh.at[d1], add=True)
        return carry

    lax.fori_loop(0, KCH // 2, body, 0)
    plsc.subcore_barrier()
    pltpu.sync_copy(acc_sh.at[pl.ds(sid * RT, RT)],
                    out_hbm.at[cid, pl.ds(sid * RT, RT)])


def _sc_spmm(src_p, dst_p, feat, zerosW):
    call = pl.kernel(
        _spmm_body,
        out_type=jax.ShapeDtypeStruct((NC, NP, W), jnp.float32),
        mesh=_sc_mesh(),
        scratch_types=[
            pltpu.VMEM((KCH, B), jnp.int32),
            pltpu.VMEM((B,), jnp.int32),
            pltpu.VMEM((B,), jnp.int32),
            pltpu.VMEM((B, W), jnp.float32),
            pltpu.VMEM((B, W), jnp.float32),
            pltpu.VMEM_SHARED((NP, W), jnp.float32),
            pltpu.SemaphoreType.DMA,
            pltpu.SemaphoreType.DMA,
            pltpu.SemaphoreType.DMA,
            pltpu.SemaphoreType.DMA,
        ],
    )
    return call(src_p, dst_p, feat, zerosW)


RBLK = 1000


def _prep0_body(x_ref, w_ref, h_ref):
    h_ref[...] = jnp.dot(x_ref[...], w_ref[...],
                         preferred_element_type=jnp.float32)


def _prep1_body(deg_ref, h_ref, h1_ref, dinv_ref):
    deg = deg_ref[0, :, 0:1] + deg_ref[1, :, 0:1] + 1.0
    dinv = lax.rsqrt(jnp.maximum(deg, 1.0))
    dinvH = jnp.broadcast_to(dinv, (RBLK, H))
    h1 = dinvH * h_ref[...]
    h1_ref[...] = jnp.concatenate(
        [h1, jnp.zeros((RBLK, W - H), jnp.float32)], axis=1)
    dinv_ref[...] = dinvH


def _prep2_body(acc_ref, h1_ref, dinv_ref, wcat_ref, g1_ref):
    s = acc_ref[0, :, :H] + acc_ref[1, :, :H] + h1_ref[:, :H]
    hidden = jnp.maximum(dinv_ref[...] * s, 0.0)
    g = jnp.dot(hidden, wcat_ref[...], preferred_element_type=jnp.float32)
    g1_ref[...] = jnp.concatenate(
        [dinv_ref[...] * g, jnp.zeros((RBLK, W - H), jnp.float32)], axis=1)


def _encode_body(acc_ref, g1_ref, dinv_ref, eps_ref, enc_ref):
    out2 = dinv_ref[...] * (acc_ref[0, :, :H] + acc_ref[1, :, :H]
                            + g1_ref[:, :H])
    means = out2[:, :C]
    log_std = out2[:, C:]
    enc_ref[...] = means + jnp.exp(log_std) * eps_ref[...]


def _tc_prep0(x, W_hidden):
    grid = (N // RBLK,)
    return pl.pallas_call(
        _prep0_body,
        grid=grid,
        in_specs=[
            pl.BlockSpec((RBLK, D), lambda i: (i, 0)),
            pl.BlockSpec((D, H), lambda i: (0, 0)),
        ],
        out_specs=pl.BlockSpec((RBLK, H), lambda i: (i, 0)),
        out_shape=jax.ShapeDtypeStruct((N, H), jnp.float32),
    )(x, W_hidden)


def _tc_prep1(deg_parts, h):
    grid = (N // RBLK,)
    return pl.pallas_call(
        _prep1_body,
        grid=grid,
        in_specs=[
            pl.BlockSpec((NC, RBLK, W), lambda i: (0, i, 0)),
            pl.BlockSpec((RBLK, H), lambda i: (i, 0)),
        ],
        out_specs=[
            pl.BlockSpec((RBLK, W), lambda i: (i, 0)),
            pl.BlockSpec((RBLK, H), lambda i: (i, 0)),
        ],
        out_shape=[
            jax.ShapeDtypeStruct((N, W), jnp.float32),
            jax.ShapeDtypeStruct((N, H), jnp.float32),
        ],
    )(deg_parts, h)


def _tc_prep2(acc_parts, h1p, dinv, Wcat):
    grid = (N // RBLK,)
    return pl.pallas_call(
        _prep2_body,
        grid=grid,
        in_specs=[
            pl.BlockSpec((NC, RBLK, W), lambda i: (0, i, 0)),
            pl.BlockSpec((RBLK, W), lambda i: (i, 0)),
            pl.BlockSpec((RBLK, H), lambda i: (i, 0)),
            pl.BlockSpec((H, H), lambda i: (0, 0)),
        ],
        out_specs=pl.BlockSpec((RBLK, W), lambda i: (i, 0)),
        out_shape=jax.ShapeDtypeStruct((N, W), jnp.float32),
    )(acc_parts, h1p, dinv, Wcat)


def _tc_encode(acc_parts, g1p, dinv, eps):
    grid = (N // RBLK,)
    return pl.pallas_call(
        _encode_body,
        grid=grid,
        in_specs=[
            pl.BlockSpec((NC, RBLK, W), lambda i: (0, i, 0)),
            pl.BlockSpec((RBLK, W), lambda i: (i, 0)),
            pl.BlockSpec((RBLK, H), lambda i: (i, 0)),
            pl.BlockSpec((RBLK, C), lambda i: (i, 0)),
        ],
        out_specs=pl.BlockSpec((RBLK, C), lambda i: (i, 0)),
        out_shape=jax.ShapeDtypeStruct((N, C), jnp.float32),
    )(acc_parts, g1p, dinv, eps)


DM = 512
DN = 2048


def _decode_body(a_ref, b_ref, out_ref):
    z = lax.dot_general(a_ref[...], b_ref[...],
                        (((1,), (1,)), ((), ())),
                        preferred_element_type=jnp.float32)
    out_ref[...] = jax.nn.sigmoid(z)


def _tc_decode(encoded):
    grid = (pl.cdiv(N, DM), pl.cdiv(N, DN))
    return pl.pallas_call(
        _decode_body,
        grid=grid,
        in_specs=[
            pl.BlockSpec((DM, C), lambda i, j: (i, 0)),
            pl.BlockSpec((DN, C), lambda i, j: (j, 0)),
        ],
        out_specs=pl.BlockSpec((DM, DN), lambda i, j: (i, j)),
        out_shape=jax.ShapeDtypeStruct((N, N), jnp.float32),
    )(encoded, encoded)


def kernel(x, edge_index, W_hidden, W_mean, W_logstd):
    src = edge_index[0].astype(jnp.int32)
    dst = edge_index[1].astype(jnp.int32)
    pad = EPAD - E
    src_p = jnp.concatenate([src, jnp.zeros((pad,), jnp.int32)]).reshape(NW, KCH, B)
    dst_p = jnp.concatenate([dst, jnp.full((pad,), N, jnp.int32)]).reshape(NW, KCH, B)

    onesW = jnp.ones((B, W), jnp.float32)
    zerosW = jnp.zeros((NP, W), jnp.float32)
    Wcat = jnp.concatenate([W_mean, W_logstd], axis=1)
    eps = jax.random.uniform(jax.random.key(42), (N, C), dtype=jnp.float32)

    h = _tc_prep0(x, W_hidden)
    deg_parts = _sc_deg(dst_p, onesW, zerosW)
    h1p, dinv = _tc_prep1(deg_parts, h)
    acc1 = _sc_spmm(src_p, dst_p, h1p, zerosW)
    g1p = _tc_prep2(acc1, h1p, dinv, Wcat)
    acc2 = _sc_spmm(src_p, dst_p, g1p, zerosW)
    encoded = _tc_encode(acc2, g1p, dinv, eps)
    return _tc_decode(encoded)

# --- scband reference (transcript-rebuilt; emitter-appended) ---
"""Pipeline reference for scband-gcn-vae-88622355185974 (READ-ONLY COPY).

The authoritative reference and input builder live on the scoring server;
editing this copy changes nothing except your own understanding.
"""

import jax, jax.numpy as jnp
import numpy as np

N = 10000
E = 320000
D = 128
H = 32
C = 16


def setup_inputs(seed: int = 0) -> dict:
    key = jax.random.key(seed)
    k1, k2, k3, k4, k5 = jax.random.split(key, 5)
    x = jax.random.normal(k1, (N, D), dtype=jnp.float32)
    edge_index = jax.random.randint(k2, (2, E), 0, N, dtype=jnp.int32)
    W_hidden = jax.random.normal(k3, (D, H), dtype=jnp.float32) * 0.05
    W_mean = jax.random.normal(k4, (H, C), dtype=jnp.float32) * 0.05
    W_logstd = jax.random.normal(k5, (H, C), dtype=jnp.float32) * 0.05
    return {"x": x, "edge_index": edge_index, "W_hidden": W_hidden, "W_mean": W_mean, "W_logstd": W_logstd}


def _norm_adj(edge_index, n):
    # Kipf & Welling transform: D^{-1/2} (A + I) D^{-1/2}, kept in sparse (src, dst, w) form
    loop = jnp.arange(n, dtype=edge_index.dtype)
    src = jnp.concatenate([edge_index[0], loop])
    dst = jnp.concatenate([edge_index[1], loop])
    ones = jnp.ones(src.shape[0], dtype=jnp.float32)
    deg = jax.ops.segment_sum(ones, dst, num_segments=n)
    dinv = 1.0 / jnp.sqrt(jnp.maximum(deg, 1.0))
    w = dinv[src] * dinv[dst]
    return src, dst, w


def _spmm(src, dst, w, h, n):
    # sparse normalized-adjacency matmul: gather rows by src, weight, scatter-add to dst
    return jax.ops.segment_sum(w[:, None] * jnp.take(h, src, axis=0), dst, num_segments=n)


def reference(x, edge_index, W_hidden, W_mean, W_logstd):
    n = x.shape[0]
    src, dst, w = _norm_adj(edge_index, n)
    # GCN layer 1 (hidden) + ReLU; dropout is identity in eval mode
    hidden = jax.nn.relu(_spmm(src, dst, w, x @ W_hidden, n))
    # two parallel GCN heads: means and log_std
    means = _spmm(src, dst, w, hidden @ W_mean, n)
    log_std = _spmm(src, dst, w, hidden @ W_logstd, n)
    std = jnp.exp(log_std)
    # reparameterization: torch.rand_like -> uniform noise with fixed key for determinism
    eps = jax.random.uniform(jax.random.key(42), std.shape, dtype=std.dtype)
    encoded = means + std * eps
    # inner-product decoder (standard VGAE decode): sigmoid(Z Z^T); dropout identity in eval
    prediction = jax.nn.sigmoid(encoded @ encoded.T)
    return prediction

if __name__ == "__main__":
    import jax
    _d = setup_inputs()
    print(jax.jit(kernel)(*tuple(_d.values())))

</pallas_src>

<mosaic_0001>
#map = affine_map<(d0, d1) -> (0, 0, 0)>
#map1 = affine_map<(d0, d1) -> (0, 0)>
module attributes {stable_mosaic.version = 14 : i64} {
  func.func @_deg_body(%arg0: i32, %arg1: i32, %arg2: memref<32x80x128xi32, #tpu.memory_space<hbm>>, %arg3: memref<128x128xf32, #tpu.memory_space<hbm>>, %arg4: memref<10112x128xf32, #tpu.memory_space<hbm>>, %arg5: memref<2x10112x128xf32, #tpu.memory_space<hbm>>, %arg6: memref<80x128xi32, #tpu.memory_space<vmem>>, %arg7: memref<128x128xf32, #tpu.memory_space<vmem>>, %arg8: memref<10112x128xf32, #tpu.memory_space<vmem_shared>>, %arg9: memref<!tpu.dma_semaphore, #tpu.memory_space<semaphore_mem>>) attributes {dimension_semantics = [#tpu.dimension_semantics<core_parallel>, #tpu.dimension_semantics<subcore_parallel>], iteration_bounds = array<i64: 2, 16>, scalar_prefetch = 0 : i64, scratch_operands = 4 : i64, tpu.core_type = #tpu.core_type<sc_vector_subcore>, window_params = [{transform_indices = #map}, {transform_indices = #map1}, {transform_indices = #map1}, {transform_indices = #map}]} {
    %mul3A = arith.constant 2 : i32
    %mul3A_0 = arith.muli %arg1, %mul3A : i32
    %add3A = arith.addi %mul3A_0, %arg0 : i32
    %mul3A_1 = arith.constant 632 : i32
    %mul3A_2 = arith.muli %arg1, %mul3A_1 : i32
    %mul3A_3 = arith.constant 632 : i32
    %mul3A_4 = arith.muli %arg1, %mul3A_3 : i32
    "tpu.region"() ({
      %run_scoped3A = tpu.sem_alloc : memref<!tpu.dma_semaphore, #tpu.memory_space<semaphore_mem>>
      %dma_start3A = arith.constant 0 : i32
      %dma_start3A_15 = tpu.memref_slice %arg8[%mul3A_4, %dma_start3A] : memref<10112x128xf32, #tpu.memory_space<vmem_shared>> -> memref<632x128xf32, #tpu.memory_space<vmem_shared>>
      %dma_start3A_16 = arith.constant 0 : i32
      %dma_start3A_17 = tpu.memref_slice %arg4[%mul3A_2, %dma_start3A_16] : memref<10112x128xf32, #tpu.memory_space<hbm>> -> memref<632x128xf32, #tpu.memory_space<hbm>>
      tpu.enqueue_dma source(%dma_start3A_17 : memref<632x128xf32, #tpu.memory_space<hbm>>) target(%dma_start3A_15 : memref<632x128xf32, #tpu.memory_space<vmem_shared>>) target_semaphore(%run_scoped3A : memref<!tpu.dma_semaphore, #tpu.memory_space<semaphore_mem>>)
      %dma_wait3A = arith.constant 0 : i32
      %dma_wait3A_18 = tpu.memref_slice %arg8[%mul3A_4, %dma_wait3A] : memref<10112x128xf32, #tpu.memory_space<vmem_shared>> -> memref<632x128xf32, #tpu.memory_space<vmem_shared>>
      %dma_wait3A_19 = arith.constant 0 : i32
      %dma_wait3A_20 = tpu.memref_slice %arg4[%mul3A_2, %dma_wait3A_19] : memref<10112x128xf32, #tpu.memory_space<hbm>> -> memref<632x128xf32, #tpu.memory_space<hbm>>
      tpu.wait_dma2 semaphore(%run_scoped3A : memref<!tpu.dma_semaphore, #tpu.memory_space<semaphore_mem>>) src(%dma_wait3A_20 : memref<632x128xf32, #tpu.memory_space<hbm>>) dst(%dma_wait3A_18 : memref<632x128xf32, #tpu.memory_space<vmem_shared>>)
      tpu.yield
    }) : () -> ()
    "tpu.region"() ({
      %run_scoped3A = tpu.sem_alloc : memref<!tpu.dma_semaphore, #tpu.memory_space<semaphore_mem>>
      %dma_start3A = arith.constant 0 : i32
      %dma_start3A_15 = arith.constant 0 : i32
      %dma_start3A_16 = tpu.memref_slice %arg2[%add3A, %dma_start3A, %dma_start3A_15] : memref<32x80x128xi32, #tpu.memory_space<hbm>> -> memref<1x80x128xi32, #tpu.memory_space<hbm>>
      %dma_start3A_17 = tpu.memref_squeeze %dma_start3A_16 : memref<1x80x128xi32, #tpu.memory_space<hbm>> -> memref<80x128xi32, #tpu.memory_space<hbm>>
      %dma_start3A_18 = arith.constant 0 : i32
      %dma_start3A_19 = arith.constant 0 : i32
      %dma_start3A_20 = tpu.memref_slice %arg2[%add3A, %dma_start3A_18, %dma_start3A_19] : memref<32x80x128xi32, #tpu.memory_space<hbm>> -> memref<1x80x128xi32, #tpu.memory_space<hbm>>
      %dma_start3A_21 = tpu.memref_squeeze %dma_start3A_20 : memref<1x80x128xi32, #tpu.memory_space<hbm>> -> memref<80x128xi32, #tpu.memory_space<hbm>>
      tpu.enqueue_dma source(%dma_start3A_21 : memref<80x128xi32, #tpu.memory_space<hbm>>) target(%arg6 : memref<80x128xi32, #tpu.memory_space<vmem>>) target_semaphore(%run_scoped3A : memref<!tpu.dma_semaphore, #tpu.memory_space<semaphore_mem>>)
      %dma_wait3A = arith.constant 0 : i32
      %dma_wait3A_22 = arith.constant 0 : i32
      %dma_wait3A_23 = tpu.memref_slice %arg2[%add3A, %dma_wait3A, %dma_wait3A_22] : memref<32x80x128xi32, #tpu.memory_space<hbm>> -> memref<1x80x128xi32, #tpu.memory_space<hbm>>
      %dma_wait3A_24 = tpu.memref_squeeze %dma_wait3A_23 : memref<1x80x128xi32, #tpu.memory_space<hbm>> -> memref<80x128xi32, #tpu.memory_space<hbm>>
      %dma_wait3A_25 = arith.constant 0 : i32
      %dma_wait3A_26 = arith.constant 0 : i32
      %dma_wait3A_27 = tpu.memref_slice %arg2[%add3A, %dma_wait3A_25, %dma_wait3A_26] : memref<32x80x128xi32, #tpu.memory_space<hbm>> -> memref<1x80x128xi32, #tpu.memory_space<hbm>>
      %dma_wait3A_28 = tpu.memref_squeeze %dma_wait3A_27 : memref<1x80x128xi32, #tpu.memory_space<hbm>> -> memref<80x128xi32, #tpu.memory_space<hbm>>
      tpu.wait_dma2 semaphore(%run_scoped3A : memref<!tpu.dma_semaphore, #tpu.memory_space<semaphore_mem>>) src(%dma_wait3A_28 : memref<80x128xi32, #tpu.memory_space<hbm>>) dst(%arg6 : memref<80x128xi32, #tpu.memory_space<vmem>>)
      tpu.yield
    }) : () -> ()
    "tpu.region"() ({
      %run_scoped3A = tpu.sem_alloc : memref<!tpu.dma_semaphore, #tpu.memory_space<semaphore_mem>>
      tpu.enqueue_dma source(%arg3 : memref<128x128xf32, #tpu.memory_space<hbm>>) target(%arg7 : memref<128x128xf32, #tpu.memory_space<vmem>>) target_semaphore(%run_scoped3A : memref<!tpu.dma_semaphore, #tpu.memory_space<semaphore_mem>>)
      tpu.wait_dma2 semaphore(%run_scoped3A : memref<!tpu.dma_semaphore, #tpu.memory_space<semaphore_mem>>) src(%arg3 : memref<128x128xf32, #tpu.memory_space<hbm>>) dst(%arg7 : memref<128x128xf32, #tpu.memory_space<vmem>>)
      tpu.yield
    }) : () -> ()
    %barrier3A = arith.constant 0 : index
    tpu.barrier barrier_id(%barrier3A)
    %scan3A = arith.constant 0 : i32
    %scan3A_5 = arith.constant 0 : i32
    %scan3A_6 = arith.constant 80 : i32
    %scan3A_7 = arith.addi %scan3A_5, %scan3A_6 : i32
    %scan3A_8 = arith.constant 1 : i32
    scf.for %scan3A_15 = %scan3A_5 to %scan3A_7 step %scan3A_8  : i32 {
      "tpu.region"() ({
        %run_scoped3A = tpu.sem_alloc : memref<!tpu.dma_semaphore, #tpu.memory_space<semaphore_mem>>
        %dma_start3A = arith.constant 0 : i32
        %dma_start3A_16 = tpu.memref_slice %arg6[%scan3A_15, %dma_start3A] : memref<80x128xi32, #tpu.memory_space<vmem>> -> memref<1x128xi32, #tpu.memory_space<vmem>>
        %dma_start3A_17 = tpu.memref_squeeze %dma_start3A_16 : memref<1x128xi32, #tpu.memory_space<vmem>> -> memref<128xi32, #tpu.memory_space<vmem>>
        %dma_start3A_18 = arith.constant 0 : i32
        %dma_start3A_19 = arith.constant 0 : i32
        %dma_start3A_20 = tpu.memref_slice %arg8[%dma_start3A_18, %dma_start3A_19] : memref<10112x128xf32, #tpu.memory_space<vmem_shared>> -> memref<10112x128xf32, #tpu.memory_space<vmem_shared>>
        tpu.enqueue_indirect_dma source(%arg7 : memref<128x128xf32, #tpu.memory_space<vmem>>) target(%dma_start3A_20 : memref<10112x128xf32, #tpu.memory_space<vmem_shared>>) offsets(%dma_start3A_17 : memref<128xi32, #tpu.memory_space<vmem>>) semaphore(%run_scoped3A : memref<!tpu.dma_semaphore, #tpu.memory_space<semaphore_mem>>) {add = true}
        %dma_wait3A = arith.constant 0 : i32
        %dma_wait3A_21 = tpu.memref_slice %arg6[%scan3A_15, %dma_wait3A] : memref<80x128xi32, #tpu.memory_space<vmem>> -> memref<1x128xi32, #tpu.memory_space<vmem>>
        %dma_wait3A_22 = tpu.memref_squeeze %dma_wait3A_21 : memref<1x128xi32, #tpu.memory_space<vmem>> -> memref<128xi32, #tpu.memory_space<vmem>>
        %dma_wait3A_23 = arith.constant 0 : i32
        %dma_wait3A_24 = arith.constant 0 : i32
        %dma_wait3A_25 = tpu.memref_slice %arg8[%dma_wait3A_23, %dma_wait3A_24] : memref<10112x128xf32, #tpu.memory_space<vmem_shared>> -> memref<10112x128xf32, #tpu.memory_space<vmem_shared>>
        tpu.wait_indirect_dma semaphore(%run_scoped3A : memref<!tpu.dma_semaphore, #tpu.memory_space<semaphore_mem>>) src(%arg7 : memref<128x128xf32, #tpu.memory_space<vmem>>) dst(%dma_wait3A_25 : memref<10112x128xf32, #tpu.memory_space<vmem_shared>>)
        tpu.yield
      }) : () -> ()
    }
    %scan3A_9 = arith.constant 80 : i32
    %barrier3A_10 = arith.constant 0 : index
    tpu.barrier barrier_id(%barrier3A_10)
    %mul3A_11 = arith.constant 632 : i32
    %mul3A_12 = arith.muli %arg1, %mul3A_11 : i32
    %mul3A_13 = arith.constant 632 : i32
    %mul3A_14 = arith.muli %arg1, %mul3A_13 : i32
    "tpu.region"() ({
      %run_scoped3A = tpu.sem_alloc : memref<!tpu.dma_semaphore, #tpu.memory_space<semaphore_mem>>
      %dma_start3A = arith.constant 0 : i32
      %dma_start3A_15 = tpu.memref_slice %arg5[%arg0, %mul3A_14, %dma_start3A] : memref<2x10112x128xf32, #tpu.memory_space<hbm>> -> memref<1x632x128xf32, #tpu.memory_space<hbm>>
      %dma_start3A_16 = tpu.memref_squeeze %dma_start3A_15 : memref<1x632x128xf32, #tpu.memory_space<hbm>> -> memref<632x128xf32, #tpu.memory_space<hbm>>
      %dma_start3A_17 = arith.constant 0 : i32
      %dma_start3A_18 = tpu.memref_slice %arg8[%mul3A_12, %dma_start3A_17] : memref<10112x128xf32, #tpu.memory_space<vmem_shared>> -> memref<632x128xf32, #tpu.memory_space<vmem_shared>>
      tpu.enqueue_dma source(%dma_start3A_18 : memref<632x128xf32, #tpu.memory_space<vmem_shared>>) target(%dma_start3A_16 : memref<632x128xf32, #tpu.memory_space<hbm>>) target_semaphore(%run_scoped3A : memref<!tpu.dma_semaphore, #tpu.memory_space<semaphore_mem>>)
      %dma_wait3A = arith.constant 0 : i32
      %dma_wait3A_19 = tpu.memref_slice %arg5[%arg0, %mul3A_14, %dma_wait3A] : memref<2x10112x128xf32, #tpu.memory_space<hbm>> -> memref<1x632x128xf32, #tpu.memory_space<hbm>>
      %dma_wait3A_20 = tpu.memref_squeeze %dma_wait3A_19 : memref<1x632x128xf32, #tpu.memory_space<hbm>> -> memref<632x128xf32, #tpu.memory_space<hbm>>
      %dma_wait3A_21 = arith.constant 0 : i32
      %dma_wait3A_22 = tpu.memref_slice %arg8[%mul3A_12, %dma_wait3A_21] : memref<10112x128xf32, #tpu.memory_space<vmem_shared>> -> memref<632x128xf32, #tpu.memory_space<vmem_shared>>
      tpu.wait_dma2 semaphore(%run_scoped3A : memref<!tpu.dma_semaphore, #tpu.memory_space<semaphore_mem>>) src(%dma_wait3A_22 : memref<632x128xf32, #tpu.memory_space<vmem_shared>>) dst(%dma_wait3A_20 : memref<632x128xf32, #tpu.memory_space<hbm>>)
      tpu.yield
    }) : () -> ()
    return
  }
}

#map = affine_map<(d0, d1) -> (0, 0, 0)>
#map1 = affine_map<(d0, d1) -> (0, 0)>
module attributes {stable_mosaic.version = 14 : i64} {
  func.func @_spmm_body(%arg0: i32, %arg1: i32, %arg2: memref<32x80x128xi32, #tpu.memory_space<hbm>>, %arg3: memref<32x80x128xi32, #tpu.memory_space<hbm>>, %arg4: memref<10000x128xf32, #tpu.memory_space<hbm>>, %arg5: memref<10112x128xf32, #tpu.memory_space<hbm>>, %arg6: memref<2x10112x128xf32, #tpu.memory_space<hbm>>, %arg7: memref<80x128xi32, #tpu.memory_space<vmem>>, %arg8: memref<128xi32, #tpu.memory_space<vmem>>, %arg9: memref<128xi32, #tpu.memory_space<vmem>>, %arg10: memref<128x128xf32, #tpu.memory_space<vmem>>, %arg11: memref<128x128xf32, #tpu.memory_space<vmem>>, %arg12: memref<10112x128xf32, #tpu.memory_space<vmem_shared>>, %arg13: memref<!tpu.dma_semaphore, #tpu.memory_space<semaphore_mem>>, %arg14: memref<!tpu.dma_semaphore, #tpu.memory_space<semaphore_mem>>, %arg15: memref<!tpu.dma_semaphore, #tpu.memory_space<semaphore_mem>>, %arg16: memref<!tpu.dma_semaphore, #tpu.memory_space<semaphore_mem>>) attributes {dimension_semantics = [#tpu.dimension_semantics<core_parallel>, #tpu.dimension_semantics<subcore_parallel>], iteration_bounds = array<i64: 2, 16>, scalar_prefetch = 0 : i64, scratch_operands = 10 : i64, tpu.core_type = #tpu.core_type<sc_vector_subcore>, window_params = [{transform_indices = #map}, {transform_indices = #map}, {transform_indices = #map1}, {transform_indices = #map1}, {transform_indices = #map}]} {
    %mul3A = arith.constant 2 : i32
    %mul3A_0 = arith.muli %arg1, %mul3A : i32
    %add3A = arith.addi %mul3A_0, %arg0 : i32
    %mul3A_1 = arith.constant 632 : i32
    %mul3A_2 = arith.muli %arg1, %mul3A_1 : i32
    %mul3A_3 = arith.constant 632 : i32
    %mul3A_4 = arith.muli %arg1, %mul3A_3 : i32
    "tpu.region"() ({
      %run_scoped3A = tpu.sem_alloc : memref<!tpu.dma_semaphore, #tpu.memory_space<semaphore_mem>>
      %dma_start3A = arith.constant 0 : i32
      %dma_start3A_15 = tpu.memref_slice %arg12[%mul3A_4, %dma_start3A] : memref<10112x128xf32, #tpu.memory_space<vmem_shared>> -> memref<632x128xf32, #tpu.memory_space<vmem_shared>>
      %dma_start3A_16 = arith.constant 0 : i32
      %dma_start3A_17 = tpu.memref_slice %arg5[%mul3A_2, %dma_start3A_16] : memref<10112x128xf32, #tpu.memory_space<hbm>> -> memref<632x128xf32, #tpu.memory_space<hbm>>
      tpu.enqueue_dma source(%dma_start3A_17 : memref<632x128xf32, #tpu.memory_space<hbm>>) target(%dma_start3A_15 : memref<632x128xf32, #tpu.memory_space<vmem_shared>>) target_semaphore(%run_scoped3A : memref<!tpu.dma_semaphore, #tpu.memory_space<semaphore_mem>>)
      %dma_wait3A = arith.constant 0 : i32
      %dma_wait3A_18 = tpu.memref_slice %arg12[%mul3A_4, %dma_wait3A] : memref<10112x128xf32, #tpu.memory_space<vmem_shared>> -> memref<632x128xf32, #tpu.memory_space<vmem_shared>>
      %dma_wait3A_19 = arith.constant 0 : i32
      %dma_wait3A_20 = tpu.memref_slice %arg5[%mul3A_2, %dma_wait3A_19] : memref<10112x128xf32, #tpu.memory_space<hbm>> -> memref<632x128xf32, #tpu.memory_space<hbm>>
      tpu.wait_dma2 semaphore(%run_scoped3A : memref<!tpu.dma_semaphore, #tpu.memory_space<semaphore_mem>>) src(%dma_wait3A_20 : memref<632x128xf32, #tpu.memory_space<hbm>>) dst(%dma_wait3A_18 : memref<632x128xf32, #tpu.memory_space<vmem_shared>>)
      tpu.yield
    }) : () -> ()
    "tpu.region"() ({
      %run_scoped3A = tpu.sem_alloc : memref<!tpu.dma_semaphore, #tpu.memory_space<semaphore_mem>>
      %dma_start3A = arith.constant 0 : i32
      %dma_start3A_15 = arith.constant 0 : i32
      %dma_start3A_16 = tpu.memref_slice %arg2[%add3A, %dma_start3A, %dma_start3A_15] : memref<32x80x128xi32, #tpu.memory_space<hbm>> -> memref<1x80x128xi32, #tpu.memory_space<hbm>>
      %dma_start3A_17 = tpu.memref_squeeze %dma_start3A_16 : memref<1x80x128xi32, #tpu.memory_space<hbm>> -> memref<80x128xi32, #tpu.memory_space<hbm>>
      %dma_start3A_18 = arith.constant 0 : i32
      %dma_start3A_19 = arith.constant 0 : i32
      %dma_start3A_20 = tpu.memref_slice %arg2[%add3A, %dma_start3A_18, %dma_start3A_19] : memref<32x80x128xi32, #tpu.memory_space<hbm>> -> memref<1x80x128xi32, #tpu.memory_space<hbm>>
      %dma_start3A_21 = tpu.memref_squeeze %dma_start3A_20 : memref<1x80x128xi32, #tpu.memory_space<hbm>> -> memref<80x128xi32, #tpu.memory_space<hbm>>
      tpu.enqueue_dma source(%dma_start3A_21 : memref<80x128xi32, #tpu.memory_space<hbm>>) target(%arg7 : memref<80x128xi32, #tpu.memory_space<vmem>>) target_semaphore(%run_scoped3A : memref<!tpu.dma_semaphore, #tpu.memory_space<semaphore_mem>>)
      %dma_wait3A = arith.constant 0 : i32
      %dma_wait3A_22 = arith.constant 0 : i32
      %dma_wait3A_23 = tpu.memref_slice %arg2[%add3A, %dma_wait3A, %dma_wait3A_22] : memref<32x80x128xi32, #tpu.memory_space<hbm>> -> memref<1x80x128xi32, #tpu.memory_space<hbm>>
      %dma_wait3A_24 = tpu.memref_squeeze %dma_wait3A_23 : memref<1x80x128xi32, #tpu.memory_space<hbm>> -> memref<80x128xi32, #tpu.memory_space<hbm>>
      %dma_wait3A_25 = arith.constant 0 : i32
      %dma_wait3A_26 = arith.constant 0 : i32
      %dma_wait3A_27 = tpu.memref_slice %arg2[%add3A, %dma_wait3A_25, %dma_wait3A_26] : memref<32x80x128xi32, #tpu.memory_space<hbm>> -> memref<1x80x128xi32, #tpu.memory_space<hbm>>
      %dma_wait3A_28 = tpu.memref_squeeze %dma_wait3A_27 : memref<1x80x128xi32, #tpu.memory_space<hbm>> -> memref<80x128xi32, #tpu.memory_space<hbm>>
      tpu.wait_dma2 semaphore(%run_scoped3A : memref<!tpu.dma_semaphore, #tpu.memory_space<semaphore_mem>>) src(%dma_wait3A_28 : memref<80x128xi32, #tpu.memory_space<hbm>>) dst(%arg7 : memref<80x128xi32, #tpu.memory_space<vmem>>)
      tpu.yield
    }) : () -> ()
    %barrier3A = arith.constant 0 : index
    tpu.barrier barrier_id(%barrier3A)
    %scan3A = arith.constant 0 : i32
    %scan3A_5 = arith.constant 0 : i32
    %scan3A_6 = arith.constant 40 : i32
    %scan3A_7 = arith.addi %scan3A_5, %scan3A_6 : i32
    %scan3A_8 = arith.constant 1 : i32
    scf.for %scan3A_15 = %scan3A_5 to %scan3A_7 step %scan3A_8  : i32 {
      %mul3A_16 = arith.constant 2 : i32
      %mul3A_17 = arith.muli %mul3A_16, %scan3A_15 : i32
      %add3A_18 = arith.constant 1 : i32
      %add3A_19 = arith.addi %mul3A_17, %add3A_18 : i32
      %dma_start3A = arith.constant 0 : i32
      %dma_start3A_20 = tpu.memref_slice %arg3[%add3A, %mul3A_17, %dma_start3A] : memref<32x80x128xi32, #tpu.memory_space<hbm>> -> memref<1x1x128xi32, #tpu.memory_space<hbm>>
      %dma_start3A_21 = tpu.memref_squeeze %dma_start3A_20 : memref<1x1x128xi32, #tpu.memory_space<hbm>> -> memref<128xi32, #tpu.memory_space<hbm>>
      %dma_start3A_22 = arith.constant 0 : i32
      %dma_start3A_23 = tpu.memref_slice %arg3[%add3A, %mul3A_17, %dma_start3A_22] : memref<32x80x128xi32, #tpu.memory_space<hbm>> -> memref<1x1x128xi32, #tpu.memory_space<hbm>>
      %dma_start3A_24 = tpu.memref_squeeze %dma_start3A_23 : memref<1x1x128xi32, #tpu.memory_space<hbm>> -> memref<128xi32, #tpu.memory_space<hbm>>
      tpu.enqueue_dma source(%dma_start3A_24 : memref<128xi32, #tpu.memory_space<hbm>>) target(%arg8 : memref<128xi32, #tpu.memory_space<vmem>>) target_semaphore(%arg13 : memref<!tpu.dma_semaphore, #tpu.memory_space<semaphore_mem>>)
      %dma_start3A_25 = arith.constant 0 : i32
      %dma_start3A_26 = tpu.memref_slice %arg3[%add3A, %add3A_19, %dma_start3A_25] : memref<32x80x128xi32, #tpu.memory_space<hbm>> -> memref<1x1x128xi32, #tpu.memory_space<hbm>>
      %dma_start3A_27 = tpu.memref_squeeze %dma_start3A_26 : memref<1x1x128xi32, #tpu.memory_space<hbm>> -> memref<128xi32, #tpu.memory_space<hbm>>
      %dma_start3A_28 = arith.constant 0 : i32
      %dma_start3A_29 = tpu.memref_slice %arg3[%add3A, %add3A_19, %dma_start3A_28] : memref<32x80x128xi32, #tpu.memory_space<hbm>> -> memref<1x1x128xi32, #tpu.memory_space<hbm>>
      %dma_start3A_30 = tpu.memref_squeeze %dma_start3A_29 : memref<1x1x128xi32, #tpu.memory_space<hbm>> -> memref<128xi32, #tpu.memory_space<hbm>>
      tpu.enqueue_dma source(%dma_start3A_30 : memref<128xi32, #tpu.memory_space<hbm>>) target(%arg9 : memref<128xi32, #tpu.memory_space<vmem>>) target_semaphore(%arg14 : memref<!tpu.dma_semaphore, #tpu.memory_space<semaphore_mem>>)
      %dma_start3A_31 = arith.constant 0 : i32
      %dma_start3A_32 = tpu.memref_slice %arg7[%mul3A_17, %dma_start3A_31] : memref<80x128xi32, #tpu.memory_space<vmem>> -> memref<1x128xi32, #tpu.memory_space<vmem>>
      %dma_start3A_33 = tpu.memref_squeeze %dma_start3A_32 : memref<1x128xi32, #tpu.memory_space<vmem>> -> memref<128xi32, #tpu.memory_space<vmem>>
      %dma_start3A_34 = arith.constant 0 : i32
      %dma_start3A_35 = arith.constant 0 : i32
      %dma_start3A_36 = tpu.memref_slice %arg4[%dma_start3A_34, %dma_start3A_35] : memref<10000x128xf32, #tpu.memory_space<hbm>> -> memref<10000x128xf32, #tpu.memory_space<hbm>>
      tpu.enqueue_indirect_dma source(%dma_start3A_36 : memref<10000x128xf32, #tpu.memory_space<hbm>>) target(%arg10 : memref<128x128xf32, #tpu.memory_space<vmem>>) offsets(%dma_start3A_33 : memref<128xi32, #tpu.memory_space<vmem>>) semaphore(%arg15 : memref<!tpu.dma_semaphore, #tpu.memory_space<semaphore_mem>>)
      %dma_start3A_37 = arith.constant 0 : i32
      %dma_start3A_38 = tpu.memref_slice %arg7[%add3A_19, %dma_start3A_37] : memref<80x128xi32, #tpu.memory_space<vmem>> -> memref<1x128xi32, #tpu.memory_space<vmem>>
      %dma_start3A_39 = tpu.memref_squeeze %dma_start3A_38 : memref<1x128xi32, #tpu.memory_space<vmem>> -> memref<128xi32, #tpu.memory_space<vmem>>
      %dma_start3A_40 = arith.constant 0 : i32
      %dma_start3A_41 = arith.constant 0 : i32
      %dma_start3A_42 = tpu.memref_slice %arg4[%dma_start3A_40, %dma_start3A_41] : memref<10000x128xf32, #tpu.memory_space<hbm>> -> memref<10000x128xf32, #tpu.memory_space<hbm>>
      tpu.enqueue_indirect_dma source(%dma_start3A_42 : memref<10000x128xf32, #tpu.memory_space<hbm>>) target(%arg11 : memref<128x128xf32, #tpu.memory_space<vmem>>) offsets(%dma_start3A_39 : memref<128xi32, #tpu.memory_space<vmem>>) semaphore(%arg16 : memref<!tpu.dma_semaphore, #tpu.memory_space<semaphore_mem>>)
      %dma_wait3A = arith.constant 0 : i32
      %dma_wait3A_43 = tpu.memref_slice %arg7[%mul3A_17, %dma_wait3A] : memref<80x128xi32, #tpu.memory_space<vmem>> -> memref<1x128xi32, #tpu.memory_space<vmem>>
      %dma_wait3A_44 = tpu.memref_squeeze %dma_wait3A_43 : memref<1x128xi32, #tpu.memory_space<vmem>> -> memref<128xi32, #tpu.memory_space<vmem>>
      %dma_wait3A_45 = arith.constant 0 : i32
      %dma_wait3A_46 = arith.constant 0 : i32
      %dma_wait3A_47 = tpu.memref_slice %arg4[%dma_wait3A_45, %dma_wait3A_46] : memref<10000x128xf32, #tpu.memory_space<hbm>> -> memref<10000x128xf32, #tpu.memory_space<hbm>>
      tpu.wait_indirect_dma semaphore(%arg15 : memref<!tpu.dma_semaphore, #tpu.memory_space<semaphore_mem>>) src(%dma_wait3A_47 : memref<10000x128xf32, #tpu.memory_space<hbm>>) dst(%arg10 : memref<128x128xf32, #tpu.memory_space<vmem>>)
      %dma_wait3A_48 = arith.constant 0 : i32
      %dma_wait3A_49 = tpu.memref_slice %arg3[%add3A, %mul3A_17, %dma_wait3A_48] : memref<32x80x128xi32, #tpu.memory_space<hbm>> -> memref<1x1x128xi32, #tpu.memory_space<hbm>>
      %dma_wait3A_50 = tpu.memref_squeeze %dma_wait3A_49 : memref<1x1x128xi32, #tpu.memory_space<hbm>> -> memref<128xi32, #tpu.memory_space<hbm>>
      %dma_wait3A_51 = arith.constant 0 : i32
      %dma_wait3A_52 = tpu.memref_slice %arg3[%add3A, %mul3A_17, %dma_wait3A_51] : memref<32x80x128xi32, #tpu.memory_space<hbm>> -> memref<1x1x128xi32, #tpu.memory_space<hbm>>
      %dma_wait3A_53 = tpu.memref_squeeze %dma_wait3A_52 : memref<1x1x128xi32, #tpu.memory_space<hbm>> -> memref<128xi32, #tpu.memory_space<hbm>>
      tpu.wait_dma2 semaphore(%arg13 : memref<!tpu.dma_semaphore, #tpu.memory_space<semaphore_mem>>) src(%dma_wait3A_53 : memref<128xi32, #tpu.memory_space<hbm>>) dst(%arg8 : memref<128xi32, #tpu.memory_space<vmem>>)
      "tpu.region"() ({
        %run_scoped3A = tpu.sem_alloc : memref<!tpu.dma_semaphore, #tpu.memory_space<semaphore_mem>>
        %dma_start3A_66 = arith.constant 0 : i32
        %dma_start3A_67 = arith.constant 0 : i32
        %dma_start3A_68 = tpu.memref_slice %arg12[%dma_start3A_66, %dma_start3A_67] : memref<10112x128xf32, #tpu.memory_space<vmem_shared>> -> memref<10112x128xf32, #tpu.memory_space<vmem_shared>>
        tpu.enqueue_indirect_dma source(%arg10 : memref<128x128xf32, #tpu.memory_space<vmem>>) target(%dma_start3A_68 : memref<10112x128xf32, #tpu.memory_space<vmem_shared>>) offsets(%arg8 : memref<128xi32, #tpu.memory_space<vmem>>) semaphore(%run_scoped3A : memref<!tpu.dma_semaphore, #tpu.memory_space<semaphore_mem>>) {add = true}
        %dma_wait3A_69 = arith.constant 0 : i32
        %dma_wait3A_70 = arith.constant 0 : i32
        %dma_wait3A_71 = tpu.memref_slice %arg12[%dma_wait3A_69, %dma_wait3A_70] : memref<10112x128xf32, #tpu.memory_space<vmem_shared>> -> memref<10112x128xf32, #tpu.memory_space<vmem_shared>>
        tpu.wait_indirect_dma semaphore(%run_scoped3A : memref<!tpu.dma_semaphore, #tpu.memory_space<semaphore_mem>>) src(%arg10 : memref<128x128xf32, #tpu.memory_space<vmem>>) dst(%dma_wait3A_71 : memref<10112x128xf32, #tpu.memory_space<vmem_shared>>)
        tpu.yield
      }) : () -> ()
      %dma_wait3A_54 = arith.constant 0 : i32
      %dma_wait3A_55 = tpu.memref_slice %arg7[%add3A_19, %dma_wait3A_54] : memref<80x128xi32, #tpu.memory_space<vmem>> -> memref<1x128xi32, #tpu.memory_space<vmem>>
      %dma_wait3A_56 = tpu.memref_squeeze %dma_wait3A_55 : memref<1x128xi32, #tpu.memory_space<vmem>> -> memref<128xi32, #tpu.memory_space<vmem>>
      %dma_wait3A_57 = arith.constant 0 : i32
      %dma_wait3A_58 = arith.constant 0 : i32
      %dma_wait3A_59 = tpu.memref_slice %arg4[%dma_wait3A_57, %dma_wait3A_58] : memref<10000x128xf32, #tpu.memory_space<hbm>> -> memref<10000x128xf32, #tpu.memory_space<hbm>>
      tpu.wait_indirect_dma semaphore(%arg16 : memref<!tpu.dma_semaphore, #tpu.memory_space<semaphore_mem>>) src(%dma_wait3A_59 : memref<10000x128xf32, #tpu.memory_space<hbm>>) dst(%arg11 : memref<128x128xf32, #tpu.memory_space<vmem>>)
      %dma_wait3A_60 = arith.constant 0 : i32
      %dma_wait3A_61 = tpu.memref_slice %arg3[%add3A, %add3A_19, %dma_wait3A_60] : memref<32x80x128xi32, #tpu.memory_space<hbm>> -> memref<1x1x128xi32, #tpu.memory_space<hbm>>
      %dma_wait3A_62 = tpu.memref_squeeze %dma_wait3A_61 : memref<1x1x128xi32, #tpu.memory_space<hbm>> -> memref<128xi32, #tpu.memory_space<hbm>>
      %dma_wait3A_63 = arith.constant 0 : i32
      %dma_wait3A_64 = tpu.memref_slice %arg3[%add3A, %add3A_19, %dma_wait3A_63] : memref<32x80x128xi32, #tpu.memory_space<hbm>> -> memref<1x1x128xi32, #tpu.memory_space<hbm>>
      %dma_wait3A_65 = tpu.memref_squeeze %dma_wait3A_64 : memref<1x1x128xi32, #tpu.memory_space<hbm>> -> memref<128xi32, #tpu.memory_space<hbm>>
      tpu.wait_dma2 semaphore(%arg14 : memref<!tpu.dma_semaphore, #tpu.memory_space<semaphore_mem>>) src(%dma_wait3A_65 : memref<128xi32, #tpu.memory_space<hbm>>) dst(%arg9 : memref<128xi32, #tpu.memory_space<vmem>>)
      "tpu.region"() ({
        %run_scoped3A = tpu.sem_alloc : memref<!tpu.dma_semaphore, #tpu.memory_space<semaphore_mem>>
        %dma_start3A_66 = arith.constant 0 : i32
        %dma_start3A_67 = arith.constant 0 : i32
        %dma_start3A_68 = tpu.memref_slice %arg12[%dma_start3A_66, %dma_start3A_67] : memref<10112x128xf32, #tpu.memory_space<vmem_shared>> -> memref<10112x128xf32, #tpu.memory_space<vmem_shared>>
        tpu.enqueue_indirect_dma source(%arg11 : memref<128x128xf32, #tpu.memory_space<vmem>>) target(%dma_start3A_68 : memref<10112x128xf32, #tpu.memory_space<vmem_shared>>) offsets(%arg9 : memref<128xi32, #tpu.memory_space<vmem>>) semaphore(%run_scoped3A : memref<!tpu.dma_semaphore, #tpu.memory_space<semaphore_mem>>) {add = true}
        %dma_wait3A_69 = arith.constant 0 : i32
        %dma_wait3A_70 = arith.constant 0 : i32
        %dma_wait3A_71 = tpu.memref_slice %arg12[%dma_wait3A_69, %dma_wait3A_70] : memref<10112x128xf32, #tpu.memory_space<vmem_shared>> -> memref<10112x128xf32, #tpu.memory_space<vmem_shared>>
        tpu.wait_indirect_dma semaphore(%run_scoped3A : memref<!tpu.dma_semaphore, #tpu.memory_space<semaphore_mem>>) src(%arg11 : memref<128x128xf32, #tpu.memory_space<vmem>>) dst(%dma_wait3A_71 : memref<10112x128xf32, #tpu.memory_space<vmem_shared>>)
        tpu.yield
      }) : () -> ()
    }
    %scan3A_9 = arith.constant 40 : i32
    %barrier3A_10 = arith.constant 0 : index
    tpu.barrier barrier_id(%barrier3A_10)
    %mul3A_11 = arith.constant 632 : i32
    %mul3A_12 = arith.muli %arg1, %mul3A_11 : i32
    %mul3A_13 = arith.constant 632 : i32
    %mul3A_14 = arith.muli %arg1, %mul3A_13 : i32
    "tpu.region"() ({
      %run_scoped3A = tpu.sem_alloc : memref<!tpu.dma_semaphore, #tpu.memory_space<semaphore_mem>>
      %dma_start3A = arith.constant 0 : i32
      %dma_start3A_15 = tpu.memref_slice %arg6[%arg0, %mul3A_14, %dma_start3A] : memref<2x10112x128xf32, #tpu.memory_space<hbm>> -> memref<1x632x128xf32, #tpu.memory_space<hbm>>
      %dma_start3A_16 = tpu.memref_squeeze %dma_start3A_15 : memref<1x632x128xf32, #tpu.memory_space<hbm>> -> memref<632x128xf32, #tpu.memory_space<hbm>>
      %dma_start3A_17 = arith.constant 0 : i32
      %dma_start3A_18 = tpu.memref_slice %arg12[%mul3A_12, %dma_start3A_17] : memref<10112x128xf32, #tpu.memory_space<vmem_shared>> -> memref<632x128xf32, #tpu.memory_space<vmem_shared>>
      tpu.enqueue_dma source(%dma_start3A_18 : memref<632x128xf32, #tpu.memory_space<vmem_shared>>) target(%dma_start3A_16 : memref<632x128xf32, #tpu.memory_space<hbm>>) target_semaphore(%run_scoped3A : memref<!tpu.dma_semaphore, #tpu.memory_space<semaphore_mem>>)
      %dma_wait3A = arith.constant 0 : i32
      %dma_wait3A_19 = tpu.memref_slice %arg6[%arg0, %mul3A_14, %dma_wait3A] : memref<2x10112x128xf32, #tpu.memory_space<hbm>> -> memref<1x632x128xf32, #tpu.memory_space<hbm>>
      %dma_wait3A_20 = tpu.memref_squeeze %dma_wait3A_19 : memref<1x632x128xf32, #tpu.memory_space<hbm>> -> memref<632x128xf32, #tpu.memory_space<hbm>>
      %dma_wait3A_21 = arith.constant 0 : i32
      %dma_wait3A_22 = tpu.memref_slice %arg12[%mul3A_12, %dma_wait3A_21] : memref<10112x128xf32, #tpu.memory_space<vmem_shared>> -> memref<632x128xf32, #tpu.memory_space<vmem_shared>>
      tpu.wait_dma2 semaphore(%run_scoped3A : memref<!tpu.dma_semaphore, #tpu.memory_space<semaphore_mem>>) src(%dma_wait3A_22 : memref<632x128xf32, #tpu.memory_space<vmem_shared>>) dst(%dma_wait3A_20 : memref<632x128xf32, #tpu.memory_space<hbm>>)
      tpu.yield
    }) : () -> ()
    return
  }
}

#map = affine_map<(d0, d1) -> (0, 0, 0)>
#map1 = affine_map<(d0, d1) -> (0, 0)>
module attributes {stable_mosaic.version = 14 : i64} {
  func.func @_spmm_body(%arg0: i32, %arg1: i32, %arg2: memref<32x80x128xi32, #tpu.memory_space<hbm>>, %arg3: memref<32x80x128xi32, #tpu.memory_space<hbm>>, %arg4: memref<10000x128xf32, #tpu.memory_space<hbm>>, %arg5: memref<10112x128xf32, #tpu.memory_space<hbm>>, %arg6: memref<2x10112x128xf32, #tpu.memory_space<hbm>>, %arg7: memref<80x128xi32, #tpu.memory_space<vmem>>, %arg8: memref<128xi32, #tpu.memory_space<vmem>>, %arg9: memref<128xi32, #tpu.memory_space<vmem>>, %arg10: memref<128x128xf32, #tpu.memory_space<vmem>>, %arg11: memref<128x128xf32, #tpu.memory_space<vmem>>, %arg12: memref<10112x128xf32, #tpu.memory_space<vmem_shared>>, %arg13: memref<!tpu.dma_semaphore, #tpu.memory_space<semaphore_mem>>, %arg14: memref<!tpu.dma_semaphore, #tpu.memory_space<semaphore_mem>>, %arg15: memref<!tpu.dma_semaphore, #tpu.memory_space<semaphore_mem>>, %arg16: memref<!tpu.dma_semaphore, #tpu.memory_space<semaphore_mem>>) attributes {dimension_semantics = [#tpu.dimension_semantics<core_parallel>, #tpu.dimension_semantics<subcore_parallel>], iteration_bounds = array<i64: 2, 16>, scalar_prefetch = 0 : i64, scratch_operands = 10 : i64, tpu.core_type = #tpu.core_type<sc_vector_subcore>, window_params = [{transform_indices = #map}, {transform_indices = #map}, {transform_indices = #map1}, {transform_indices = #map1}, {transform_indices = #map}]} {
    %mul3A = arith.constant 2 : i32
    %mul3A_0 = arith.muli %arg1, %mul3A : i32
    %add3A = arith.addi %mul3A_0, %arg0 : i32
    %mul3A_1 = arith.constant 632 : i32
    %mul3A_2 = arith.muli %arg1, %mul3A_1 : i32
    %mul3A_3 = arith.constant 632 : i32
    %mul3A_4 = arith.muli %arg1, %mul3A_3 : i32
    "tpu.region"() ({
      %run_scoped3A = tpu.sem_alloc : memref<!tpu.dma_semaphore, #tpu.memory_space<semaphore_mem>>
      %dma_start3A = arith.constant 0 : i32
      %dma_start3A_15 = tpu.memref_slice %arg12[%mul3A_4, %dma_start3A] : memref<10112x128xf32, #tpu.memory_space<vmem_shared>> -> memref<632x128xf32, #tpu.memory_space<vmem_shared>>
      %dma_start3A_16 = arith.constant 0 : i32
      %dma_start3A_17 = tpu.memref_slice %arg5[%mul3A_2, %dma_start3A_16] : memref<10112x128xf32, #tpu.memory_space<hbm>> -> memref<632x128xf32, #tpu.memory_space<hbm>>
      tpu.enqueue_dma source(%dma_start3A_17 : memref<632x128xf32, #tpu.memory_space<hbm>>) target(%dma_start3A_15 : memref<632x128xf32, #tpu.memory_space<vmem_shared>>) target_semaphore(%run_scoped3A : memref<!tpu.dma_semaphore, #tpu.memory_space<semaphore_mem>>)
      %dma_wait3A = arith.constant 0 : i32
      %dma_wait3A_18 = tpu.memref_slice %arg12[%mul3A_4, %dma_wait3A] : memref<10112x128xf32, #tpu.memory_space<vmem_shared>> -> memref<632x128xf32, #tpu.memory_space<vmem_shared>>
      %dma_wait3A_19 = arith.constant 0 : i32
      %dma_wait3A_20 = tpu.memref_slice %arg5[%mul3A_2, %dma_wait3A_19] : memref<10112x128xf32, #tpu.memory_space<hbm>> -> memref<632x128xf32, #tpu.memory_space<hbm>>
      tpu.wait_dma2 semaphore(%run_scoped3A : memref<!tpu.dma_semaphore, #tpu.memory_space<semaphore_mem>>) src(%dma_wait3A_20 : memref<632x128xf32, #tpu.memory_space<hbm>>) dst(%dma_wait3A_18 : memref<632x128xf32, #tpu.memory_space<vmem_shared>>)
      tpu.yield
    }) : () -> ()
    "tpu.region"() ({
      %run_scoped3A = tpu.sem_alloc : memref<!tpu.dma_semaphore, #tpu.memory_space<semaphore_mem>>
      %dma_start3A = arith.constant 0 : i32
      %dma_start3A_15 = arith.constant 0 : i32
      %dma_start3A_16 = tpu.memref_slice %arg2[%add3A, %dma_start3A, %dma_start3A_15] : memref<32x80x128xi32, #tpu.memory_space<hbm>> -> memref<1x80x128xi32, #tpu.memory_space<hbm>>
      %dma_start3A_17 = tpu.memref_squeeze %dma_start3A_16 : memref<1x80x128xi32, #tpu.memory_space<hbm>> -> memref<80x128xi32, #tpu.memory_space<hbm>>
      %dma_start3A_18 = arith.constant 0 : i32
      %dma_start3A_19 = arith.constant 0 : i32
      %dma_start3A_20 = tpu.memref_slice %arg2[%add3A, %dma_start3A_18, %dma_start3A_19] : memref<32x80x128xi32, #tpu.memory_space<hbm>> -> memref<1x80x128xi32, #tpu.memory_space<hbm>>
      %dma_start3A_21 = tpu.memref_squeeze %dma_start3A_20 : memref<1x80x128xi32, #tpu.memory_space<hbm>> -> memref<80x128xi32, #tpu.memory_space<hbm>>
      tpu.enqueue_dma source(%dma_start3A_21 : memref<80x128xi32, #tpu.memory_space<hbm>>) target(%arg7 : memref<80x128xi32, #tpu.memory_space<vmem>>) target_semaphore(%run_scoped3A : memref<!tpu.dma_semaphore, #tpu.memory_space<semaphore_mem>>)
      %dma_wait3A = arith.constant 0 : i32
      %dma_wait3A_22 = arith.constant 0 : i32
      %dma_wait3A_23 = tpu.memref_slice %arg2[%add3A, %dma_wait3A, %dma_wait3A_22] : memref<32x80x128xi32, #tpu.memory_space<hbm>> -> memref<1x80x128xi32, #tpu.memory_space<hbm>>
      %dma_wait3A_24 = tpu.memref_squeeze %dma_wait3A_23 : memref<1x80x128xi32, #tpu.memory_space<hbm>> -> memref<80x128xi32, #tpu.memory_space<hbm>>
      %dma_wait3A_25 = arith.constant 0 : i32
      %dma_wait3A_26 = arith.constant 0 : i32
      %dma_wait3A_27 = tpu.memref_slice %arg2[%add3A, %dma_wait3A_25, %dma_wait3A_26] : memref<32x80x128xi32, #tpu.memory_space<hbm>> -> memref<1x80x128xi32, #tpu.memory_space<hbm>>
      %dma_wait3A_28 = tpu.memref_squeeze %dma_wait3A_27 : memref<1x80x128xi32, #tpu.memory_space<hbm>> -> memref<80x128xi32, #tpu.memory_space<hbm>>
      tpu.wait_dma2 semaphore(%run_scoped3A : memref<!tpu.dma_semaphore, #tpu.memory_space<semaphore_mem>>) src(%dma_wait3A_28 : memref<80x128xi32, #tpu.memory_space<hbm>>) dst(%arg7 : memref<80x128xi32, #tpu.memory_space<vmem>>)
      tpu.yield
    }) : () -> ()
    %barrier3A = arith.constant 0 : index
    tpu.barrier barrier_id(%barrier3A)
    %scan3A = arith.constant 0 : i32
    %scan3A_5 = arith.constant 0 : i32
    %scan3A_6 = arith.constant 40 : i32
    %scan3A_7 = arith.addi %scan3A_5, %scan3A_6 : i32
    %scan3A_8 = arith.constant 1 : i32
    scf.for %scan3A_15 = %scan3A_5 to %scan3A_7 step %scan3A_8  : i32 {
      %mul3A_16 = arith.constant 2 : i32
      %mul3A_17 = arith.muli %mul3A_16, %scan3A_15 : i32
      %add3A_18 = arith.constant 1 : i32
      %add3A_19 = arith.addi %mul3A_17, %add3A_18 : i32
      %dma_start3A = arith.constant 0 : i32
      %dma_start3A_20 = tpu.memref_slice %arg3[%add3A, %mul3A_17, %dma_start3A] : memref<32x80x128xi32, #tpu.memory_space<hbm>> -> memref<1x1x128xi32, #tpu.memory_space<hbm>>
      %dma_start3A_21 = tpu.memref_squeeze %dma_start3A_20 : memref<1x1x128xi32, #tpu.memory_space<hbm>> -> memref<128xi32, #tpu.memory_space<hbm>>
      %dma_start3A_22 = arith.constant 0 : i32
      %dma_start3A_23 = tpu.memref_slice %arg3[%add3A, %mul3A_17, %dma_start3A_22] : memref<32x80x128xi32, #tpu.memory_space<hbm>> -> memref<1x1x128xi32, #tpu.memory_space<hbm>>
      %dma_start3A_24 = tpu.memref_squeeze %dma_start3A_23 : memref<1x1x128xi32, #tpu.memory_space<hbm>> -> memref<128xi32, #tpu.memory_space<hbm>>
      tpu.enqueue_dma source(%dma_start3A_24 : memref<128xi32, #tpu.memory_space<hbm>>) target(%arg8 : memref<128xi32, #tpu.memory_space<vmem>>) target_semaphore(%arg13 : memref<!tpu.dma_semaphore, #tpu.memory_space<semaphore_mem>>)
      %dma_start3A_25 = arith.constant 0 : i32
      %dma_start3A_26 = tpu.memref_slice %arg3[%add3A, %add3A_19, %dma_start3A_25] : memref<32x80x128xi32, #tpu.memory_space<hbm>> -> memref<1x1x128xi32, #tpu.memory_space<hbm>>
      %dma_start3A_27 = tpu.memref_squeeze %dma_start3A_26 : memref<1x1x128xi32, #tpu.memory_space<hbm>> -> memref<128xi32, #tpu.memory_space<hbm>>
      %dma_start3A_28 = arith.constant 0 : i32
      %dma_start3A_29 = tpu.memref_slice %arg3[%add3A, %add3A_19, %dma_start3A_28] : memref<32x80x128xi32, #tpu.memory_space<hbm>> -> memref<1x1x128xi32, #tpu.memory_space<hbm>>
      %dma_start3A_30 = tpu.memref_squeeze %dma_start3A_29 : memref<1x1x128xi32, #tpu.memory_space<hbm>> -> memref<128xi32, #tpu.memory_space<hbm>>
      tpu.enqueue_dma source(%dma_start3A_30 : memref<128xi32, #tpu.memory_space<hbm>>) target(%arg9 : memref<128xi32, #tpu.memory_space<vmem>>) target_semaphore(%arg14 : memref<!tpu.dma_semaphore, #tpu.memory_space<semaphore_mem>>)
      %dma_start3A_31 = arith.constant 0 : i32
      %dma_start3A_32 = tpu.memref_slice %arg7[%mul3A_17, %dma_start3A_31] : memref<80x128xi32, #tpu.memory_space<vmem>> -> memref<1x128xi32, #tpu.memory_space<vmem>>
      %dma_start3A_33 = tpu.memref_squeeze %dma_start3A_32 : memref<1x128xi32, #tpu.memory_space<vmem>> -> memref<128xi32, #tpu.memory_space<vmem>>
      %dma_start3A_34 = arith.constant 0 : i32
      %dma_start3A_35 = arith.constant 0 : i32
      %dma_start3A_36 = tpu.memref_slice %arg4[%dma_start3A_34, %dma_start3A_35] : memref<10000x128xf32, #tpu.memory_space<hbm>> -> memref<10000x128xf32, #tpu.memory_space<hbm>>
      tpu.enqueue_indirect_dma source(%dma_start3A_36 : memref<10000x128xf32, #tpu.memory_space<hbm>>) target(%arg10 : memref<128x128xf32, #tpu.memory_space<vmem>>) offsets(%dma_start3A_33 : memref<128xi32, #tpu.memory_space<vmem>>) semaphore(%arg15 : memref<!tpu.dma_semaphore, #tpu.memory_space<semaphore_mem>>)
      %dma_start3A_37 = arith.constant 0 : i32
      %dma_start3A_38 = tpu.memref_slice %arg7[%add3A_19, %dma_start3A_37] : memref<80x128xi32, #tpu.memory_space<vmem>> -> memref<1x128xi32, #tpu.memory_space<vmem>>
      %dma_start3A_39 = tpu.memref_squeeze %dma_start3A_38 : memref<1x128xi32, #tpu.memory_space<vmem>> -> memref<128xi32, #tpu.memory_space<vmem>>
      %dma_start3A_40 = arith.constant 0 : i32
      %dma_start3A_41 = arith.constant 0 : i32
      %dma_start3A_42 = tpu.memref_slice %arg4[%dma_start3A_40, %dma_start3A_41] : memref<10000x128xf32, #tpu.memory_space<hbm>> -> memref<10000x128xf32, #tpu.memory_space<hbm>>
      tpu.enqueue_indirect_dma source(%dma_start3A_42 : memref<10000x128xf32, #tpu.memory_space<hbm>>) target(%arg11 : memref<128x128xf32, #tpu.memory_space<vmem>>) offsets(%dma_start3A_39 : memref<128xi32, #tpu.memory_space<vmem>>) semaphore(%arg16 : memref<!tpu.dma_semaphore, #tpu.memory_space<semaphore_mem>>)
      %dma_wait3A = arith.constant 0 : i32
      %dma_wait3A_43 = tpu.memref_slice %arg7[%mul3A_17, %dma_wait3A] : memref<80x128xi32, #tpu.memory_space<vmem>> -> memref<1x128xi32, #tpu.memory_space<vmem>>
      %dma_wait3A_44 = tpu.memref_squeeze %dma_wait3A_43 : memref<1x128xi32, #tpu.memory_space<vmem>> -> memref<128xi32, #tpu.memory_space<vmem>>
      %dma_wait3A_45 = arith.constant 0 : i32
      %dma_wait3A_46 = arith.constant 0 : i32
      %dma_wait3A_47 = tpu.memref_slice %arg4[%dma_wait3A_45, %dma_wait3A_46] : memref<10000x128xf32, #tpu.memory_space<hbm>> -> memref<10000x128xf32, #tpu.memory_space<hbm>>
      tpu.wait_indirect_dma semaphore(%arg15 : memref<!tpu.dma_semaphore, #tpu.memory_space<semaphore_mem>>) src(%dma_wait3A_47 : memref<10000x128xf32, #tpu.memory_space<hbm>>) dst(%arg10 : memref<128x128xf32, #tpu.memory_space<vmem>>)
      %dma_wait3A_48 = arith.constant 0 : i32
      %dma_wait3A_49 = tpu.memref_slice %arg3[%add3A, %mul3A_17, %dma_wait3A_48] : memref<32x80x128xi32, #tpu.memory_space<hbm>> -> memref<1x1x128xi32, #tpu.memory_space<hbm>>
      %dma_wait3A_50 = tpu.memref_squeeze %dma_wait3A_49 : memref<1x1x128xi32, #tpu.memory_space<hbm>> -> memref<128xi32, #tpu.memory_space<hbm>>
      %dma_wait3A_51 = arith.constant 0 : i32
      %dma_wait3A_52 = tpu.memref_slice %arg3[%add3A, %mul3A_17, %dma_wait3A_51] : memref<32x80x128xi32, #tpu.memory_space<hbm>> -> memref<1x1x128xi32, #tpu.memory_space<hbm>>
      %dma_wait3A_53 = tpu.memref_squeeze %dma_wait3A_52 : memref<1x1x128xi32, #tpu.memory_space<hbm>> -> memref<128xi32, #tpu.memory_space<hbm>>
      tpu.wait_dma2 semaphore(%arg13 : memref<!tpu.dma_semaphore, #tpu.memory_space<semaphore_mem>>) src(%dma_wait3A_53 : memref<128xi32, #tpu.memory_space<hbm>>) dst(%arg8 : memref<128xi32, #tpu.memory_space<vmem>>)
      "tpu.region"() ({
        %run_scoped3A = tpu.sem_alloc : memref<!tpu.dma_semaphore, #tpu.memory_space<semaphore_mem>>
        %dma_start3A_66 = arith.constant 0 : i32
        %dma_start3A_67 = arith.constant 0 : i32
        %dma_start3A_68 = tpu.memref_slice %arg12[%dma_start3A_66, %dma_start3A_67] : memref<10112x128xf32, #tpu.memory_space<vmem_shared>> -> memref<10112x128xf32, #tpu.memory_space<vmem_shared>>
        tpu.enqueue_indirect_dma source(%arg10 : memref<128x128xf32, #tpu.memory_space<vmem>>) target(%dma_start3A_68 : memref<10112x128xf32, #tpu.memory_space<vmem_shared>>) offsets(%arg8 : memref<128xi32, #tpu.memory_space<vmem>>) semaphore(%run_scoped3A : memref<!tpu.dma_semaphore, #tpu.memory_space<semaphore_mem>>) {add = true}
        %dma_wait3A_69 = arith.constant 0 : i32
        %dma_wait3A_70 = arith.constant 0 : i32
        %dma_wait3A_71 = tpu.memref_slice %arg12[%dma_wait3A_69, %dma_wait3A_70] : memref<10112x128xf32, #tpu.memory_space<vmem_shared>> -> memref<10112x128xf32, #tpu.memory_space<vmem_shared>>
        tpu.wait_indirect_dma semaphore(%run_scoped3A : memref<!tpu.dma_semaphore, #tpu.memory_space<semaphore_mem>>) src(%arg10 : memref<128x128xf32, #tpu.memory_space<vmem>>) dst(%dma_wait3A_71 : memref<10112x128xf32, #tpu.memory_space<vmem_shared>>)
        tpu.yield
      }) : () -> ()
      %dma_wait3A_54 = arith.constant 0 : i32
      %dma_wait3A_55 = tpu.memref_slice %arg7[%add3A_19, %dma_wait3A_54] : memref<80x128xi32, #tpu.memory_space<vmem>> -> memref<1x128xi32, #tpu.memory_space<vmem>>
      %dma_wait3A_56 = tpu.memref_squeeze %dma_wait3A_55 : memref<1x128xi32, #tpu.memory_space<vmem>> -> memref<128xi32, #tpu.memory_space<vmem>>
      %dma_wait3A_57 = arith.constant 0 : i32
      %dma_wait3A_58 = arith.constant 0 : i32
      %dma_wait3A_59 = tpu.memref_slice %arg4[%dma_wait3A_57, %dma_wait3A_58] : memref<10000x128xf32, #tpu.memory_space<hbm>> -> memref<10000x128xf32, #tpu.memory_space<hbm>>
      tpu.wait_indirect_dma semaphore(%arg16 : memref<!tpu.dma_semaphore, #tpu.memory_space<semaphore_mem>>) src(%dma_wait3A_59 : memref<10000x128xf32, #tpu.memory_space<hbm>>) dst(%arg11 : memref<128x128xf32, #tpu.memory_space<vmem>>)
      %dma_wait3A_60 = arith.constant 0 : i32
      %dma_wait3A_61 = tpu.memref_slice %arg3[%add3A, %add3A_19, %dma_wait3A_60] : memref<32x80x128xi32, #tpu.memory_space<hbm>> -> memref<1x1x128xi32, #tpu.memory_space<hbm>>
      %dma_wait3A_62 = tpu.memref_squeeze %dma_wait3A_61 : memref<1x1x128xi32, #tpu.memory_space<hbm>> -> memref<128xi32, #tpu.memory_space<hbm>>
      %dma_wait3A_63 = arith.constant 0 : i32
      %dma_wait3A_64 = tpu.memref_slice %arg3[%add3A, %add3A_19, %dma_wait3A_63] : memref<32x80x128xi32, #tpu.memory_space<hbm>> -> memref<1x1x128xi32, #tpu.memory_space<hbm>>
      %dma_wait3A_65 = tpu.memref_squeeze %dma_wait3A_64 : memref<1x1x128xi32, #tpu.memory_space<hbm>> -> memref<128xi32, #tpu.memory_space<hbm>>
      tpu.wait_dma2 semaphore(%arg14 : memref<!tpu.dma_semaphore, #tpu.memory_space<semaphore_mem>>) src(%dma_wait3A_65 : memref<128xi32, #tpu.memory_space<hbm>>) dst(%arg9 : memref<128xi32, #tpu.memory_space<vmem>>)
      "tpu.region"() ({
        %run_scoped3A = tpu.sem_alloc : memref<!tpu.dma_semaphore, #tpu.memory_space<semaphore_mem>>
        %dma_start3A_66 = arith.constant 0 : i32
        %dma_start3A_67 = arith.constant 0 : i32
        %dma_start3A_68 = tpu.memref_slice %arg12[%dma_start3A_66, %dma_start3A_67] : memref<10112x128xf32, #tpu.memory_space<vmem_shared>> -> memref<10112x128xf32, #tpu.memory_space<vmem_shared>>
        tpu.enqueue_indirect_dma source(%arg11 : memref<128x128xf32, #tpu.memory_space<vmem>>) target(%dma_start3A_68 : memref<10112x128xf32, #tpu.memory_space<vmem_shared>>) offsets(%arg9 : memref<128xi32, #tpu.memory_space<vmem>>) semaphore(%run_scoped3A : memref<!tpu.dma_semaphore, #tpu.memory_space<semaphore_mem>>) {add = true}
        %dma_wait3A_69 = arith.constant 0 : i32
        %dma_wait3A_70 = arith.constant 0 : i32
        %dma_wait3A_71 = tpu.memref_slice %arg12[%dma_wait3A_69, %dma_wait3A_70] : memref<10112x128xf32, #tpu.memory_space<vmem_shared>> -> memref<10112x128xf32, #tpu.memory_space<vmem_shared>>
        tpu.wait_indirect_dma semaphore(%run_scoped3A : memref<!tpu.dma_semaphore, #tpu.memory_space<semaphore_mem>>) src(%arg11 : memref<128x128xf32, #tpu.memory_space<vmem>>) dst(%dma_wait3A_71 : memref<10112x128xf32, #tpu.memory_space<vmem_shared>>)
        tpu.yield
      }) : () -> ()
    }
    %scan3A_9 = arith.constant 40 : i32
    %barrier3A_10 = arith.constant 0 : index
    tpu.barrier barrier_id(%barrier3A_10)
    %mul3A_11 = arith.constant 632 : i32
    %mul3A_12 = arith.muli %arg1, %mul3A_11 : i32
    %mul3A_13 = arith.constant 632 : i32
    %mul3A_14 = arith.muli %arg1, %mul3A_13 : i32
    "tpu.region"() ({
      %run_scoped3A = tpu.sem_alloc : memref<!tpu.dma_semaphore, #tpu.memory_space<semaphore_mem>>
      %dma_start3A = arith.constant 0 : i32
      %dma_start3A_15 = tpu.memref_slice %arg6[%arg0, %mul3A_14, %dma_start3A] : memref<2x10112x128xf32, #tpu.memory_space<hbm>> -> memref<1x632x128xf32, #tpu.memory_space<hbm>>
      %dma_start3A_16 = tpu.memref_squeeze %dma_start3A_15 : memref<1x632x128xf32, #tpu.memory_space<hbm>> -> memref<632x128xf32, #tpu.memory_space<hbm>>
      %dma_start3A_17 = arith.constant 0 : i32
      %dma_start3A_18 = tpu.memref_slice %arg12[%mul3A_12, %dma_start3A_17] : memref<10112x128xf32, #tpu.memory_space<vmem_shared>> -> memref<632x128xf32, #tpu.memory_space<vmem_shared>>
      tpu.enqueue_dma source(%dma_start3A_18 : memref<632x128xf32, #tpu.memory_space<vmem_shared>>) target(%dma_start3A_16 : memref<632x128xf32, #tpu.memory_space<hbm>>) target_semaphore(%run_scoped3A : memref<!tpu.dma_semaphore, #tpu.memory_space<semaphore_mem>>)
      %dma_wait3A = arith.constant 0 : i32
      %dma_wait3A_19 = tpu.memref_slice %arg6[%arg0, %mul3A_14, %dma_wait3A] : memref<2x10112x128xf32, #tpu.memory_space<hbm>> -> memref<1x632x128xf32, #tpu.memory_space<hbm>>
      %dma_wait3A_20 = tpu.memref_squeeze %dma_wait3A_19 : memref<1x632x128xf32, #tpu.memory_space<hbm>> -> memref<632x128xf32, #tpu.memory_space<hbm>>
      %dma_wait3A_21 = arith.constant 0 : i32
      %dma_wait3A_22 = tpu.memref_slice %arg12[%mul3A_12, %dma_wait3A_21] : memref<10112x128xf32, #tpu.memory_space<vmem_shared>> -> memref<632x128xf32, #tpu.memory_space<vmem_shared>>
      tpu.wait_dma2 semaphore(%run_scoped3A : memref<!tpu.dma_semaphore, #tpu.memory_space<semaphore_mem>>) src(%dma_wait3A_22 : memref<632x128xf32, #tpu.memory_space<vmem_shared>>) dst(%dma_wait3A_20 : memref<632x128xf32, #tpu.memory_space<hbm>>)
      tpu.yield
    }) : () -> ()
    return
  }
}

module attributes {stable_mosaic.version = 14 : i64} {
  func.func @_prep0_body(%arg0: i32, %arg1: memref<1000x128xf32, #tpu.memory_space<vmem>>, %arg2: memref<128x32xf32, #tpu.memory_space<vmem>>, %arg3: memref<1000x32xf32, #tpu.memory_space<vmem>>) attributes {dimension_semantics = [#tpu.dimension_semantics<arbitrary>], iteration_bounds = array<i64: 10>, scalar_prefetch = 0 : i64, scratch_operands = 0 : i64, tpu.core_type = #tpu.core_type<tc>, window_params = [{transform_indices = @transform_0, window_bounds = array<i64: 1000, 128>}, {pipeline_mode = #tpu.pipeline_mode<synchronous>, transform_indices = @transform_1, window_bounds = array<i64: 128, 32>}, {transform_indices = @transform_2, window_bounds = array<i64: 1000, 32>}]} {
    %get3A = arith.constant 0 : index
    %get3A_0 = arith.constant 0 : index
    %get3A_1 = vector.load %arg1[%get3A, %get3A_0] : memref<1000x128xf32, #tpu.memory_space<vmem>>, vector<1000x128xf32>
    %get3A_2 = arith.constant 0 : index
    %get3A_3 = arith.constant 0 : index
    %get3A_4 = vector.load %arg2[%get3A_2, %get3A_3] : memref<128x32xf32, #tpu.memory_space<vmem>>, vector<128x32xf32>
    %dot_general3A = arith.constant dense<0.000000e+00> : vector<1000x32xf32>
    %dot_general3A_5 = tpu.matmul %get3A_1, %get3A_4, %dot_general3A {dimension_numbers = #tpu.dot_dimension_numbers<[1], [0], [0], [1], [0, 0, 1, 1], [], []>, transpose_lhs_hint = false} : vector<1000x128xf32>, vector<128x32xf32>, vector<1000x32xf32> -> vector<1000x32xf32>
    %swap3A = arith.constant 0 : index
    %swap3A_6 = arith.constant 0 : index
    %swap3A_7 = vector.load %arg3[%swap3A, %swap3A_6] : memref<1000x32xf32, #tpu.memory_space<vmem>>, vector<1000x32xf32>
    tpu.vector_store %arg3[%swap3A, %swap3A_6], %dot_general3A_5 {strides = array<i32>} : memref<1000x32xf32, #tpu.memory_space<vmem>>, vector<1000x32xf32>,
    return
  }
  func.func @transform_0(%arg0: i32) -> (i32, i32) {
    %c0_i32 = arith.constant 0 : i32
    %c0_i32_0 = arith.constant 0 : i32
    return %arg0, %c0_i32 : i32, i32
  }
  func.func @transform_1(%arg0: i32) -> (i32, i32) {
    %c0_i32 = arith.constant 0 : i32
    %c0_i32_0 = arith.constant 0 : i32
    %c0_i32_1 = arith.constant 0 : i32
    return %c0_i32, %c0_i32_0 : i32, i32
  }
  func.func @transform_2(%arg0: i32) -> (i32, i32) {
    %c0_i32 = arith.constant 0 : i32
    %c0_i32_0 = arith.constant 0 : i32
    return %arg0, %c0_i32 : i32, i32
  }
}

module attributes {stable_mosaic.version = 14 : i64} {
  func.func @_prep1_body(%arg0: i32, %arg1: memref<2x1000x128xf32, #tpu.memory_space<vmem>>, %arg2: memref<1000x32xf32, #tpu.memory_space<vmem>>, %arg3: memref<1000x128xf32, #tpu.memory_space<vmem>>, %arg4: memref<1000x32xf32, #tpu.memory_space<vmem>>) attributes {dimension_semantics = [#tpu.dimension_semantics<arbitrary>], iteration_bounds = array<i64: 10>, scalar_prefetch = 0 : i64, scratch_operands = 0 : i64, tpu.core_type = #tpu.core_type<tc>, window_params = [{transform_indices = @transform_0, window_bounds = array<i64: 2, 1000, 128>}, {transform_indices = @transform_1, window_bounds = array<i64: 1000, 32>}, {transform_indices = @transform_2, window_bounds = array<i64: 1000, 128>}, {transform_indices = @transform_3, window_bounds = array<i64: 1000, 32>}]} {
    %get3A = arith.constant 0 : index
    %get3A_0 = arith.constant 0 : index
    %get3A_1 = arith.constant 0 : index
    %get3A_2 = vector.load %arg1[%get3A, %get3A_0, %get3A_1] : memref<2x1000x128xf32, #tpu.memory_space<vmem>>, vector<1x1000x1xf32>
    %get3A_3 = vector.shape_cast %get3A_2 : vector<1x1000x1xf32> to vector<1000x1xf32>
    %get3A_4 = arith.constant 1 : index
    %get3A_5 = arith.constant 0 : index
    %get3A_6 = arith.constant 0 : index
    %get3A_7 = vector.load %arg1[%get3A_4, %get3A_5, %get3A_6] : memref<2x1000x128xf32, #tpu.memory_space<vmem>>, vector<1x1000x1xf32>
    %get3A_8 = vector.shape_cast %get3A_7 : vector<1x1000x1xf32> to vector<1000x1xf32>
    %add3A = arith.addf %get3A_3, %get3A_8 : vector<1000x1xf32>
    %add3A_9 = arith.constant 1.000000e+00 : f32
    %add3A_10 = vector.broadcast %add3A_9 : f32 to vector<1000x1xf32>
    %add3A_11 = arith.addf %add3A, %add3A_10 : vector<1000x1xf32>
    %max3A = arith.constant 1.000000e+00 : f32
    %max3A_12 = vector.broadcast %max3A : f32 to vector<1000x1xf32>
    %max3A_13 = arith.maximumf %add3A_11, %max3A_12 : vector<1000x1xf32>
    %rsqrt3A = math.rsqrt %max3A_13 : vector<1000x1xf32>
    %broadcast_in_dim3A = vector.shape_cast %rsqrt3A : vector<1000x1xf32> to vector<1000x1xf32>
    %broadcast_in_dim3A_14 = vector.broadcast %broadcast_in_dim3A : vector<1000x1xf32> to vector<1000x32xf32>
    %get3A_15 = arith.constant 0 : index
    %get3A_16 = arith.constant 0 : index
    %get3A_17 = vector.load %arg2[%get3A_15, %get3A_16] : memref<1000x32xf32, #tpu.memory_space<vmem>>, vector<1000x32xf32>
    %mul3A = arith.mulf %broadcast_in_dim3A_14, %get3A_17 : vector<1000x32xf32>
    %broadcast_in_dim3A_18 = arith.constant 0.000000e+00 : f32
    %broadcast_in_dim3A_19 = vector.broadcast %broadcast_in_dim3A_18 : f32 to vector<1000x96xf32>
    %concatenate3A = tpu.concatenate %mul3A, %broadcast_in_dim3A_19 in 1 : vector<1000x32xf32>, vector<1000x96xf32> -> vector<1000x128xf32>
    %swap3A = arith.constant 0 : index
    %swap3A_20 = arith.constant 0 : index
    %swap3A_21 = vector.load %arg3[%swap3A, %swap3A_20] : memref<1000x128xf32, #tpu.memory_space<vmem>>, vector<1000x128xf32>
    tpu.vector_store %arg3[%swap3A, %swap3A_20], %concatenate3A {strides = array<i32>} : memref<1000x128xf32, #tpu.memory_space<vmem>>, vector<1000x128xf32>,
    %swap3A_22 = arith.constant 0 : index
    %swap3A_23 = arith.constant 0 : index
    %swap3A_24 = vector.load %arg4[%swap3A_22, %swap3A_23] : memref<1000x32xf32, #tpu.memory_space<vmem>>, vector<1000x32xf32>
    tpu.vector_store %arg4[%swap3A_22, %swap3A_23], %broadcast_in_dim3A_14 {strides = array<i32>} : memref<1000x32xf32, #tpu.memory_space<vmem>>, vector<1000x32xf32>,
    return
  }
  func.func @transform_0(%arg0: i32) -> (i32, i32, i32) {
    %c0_i32 = arith.constant 0 : i32
    %c0_i32_0 = arith.constant 0 : i32
    %c0_i32_1 = arith.constant 0 : i32
    return %c0_i32, %arg0, %c0_i32_0 : i32, i32, i32
  }
  func.func @transform_1(%arg0: i32) -> (i32, i32) {
    %c0_i32 = arith.constant 0 : i32
    %c0_i32_0 = arith.constant 0 : i32
    return %arg0, %c0_i32 : i32, i32
  }
  func.func @transform_2(%arg0: i32) -> (i32, i32) {
    %c0_i32 = arith.constant 0 : i32
    %c0_i32_0 = arith.constant 0 : i32
    return %arg0, %c0_i32 : i32, i32
  }
  func.func @transform_3(%arg0: i32) -> (i32, i32) {
    %c0_i32 = arith.constant 0 : i32
    %c0_i32_0 = arith.constant 0 : i32
    return %arg0, %c0_i32 : i32, i32
  }
}

module attributes {stable_mosaic.version = 14 : i64} {
  func.func @_prep2_body(%arg0: i32, %arg1: memref<2x1000x128xf32, #tpu.memory_space<vmem>>, %arg2: memref<1000x128xf32, #tpu.memory_space<vmem>>, %arg3: memref<1000x32xf32, #tpu.memory_space<vmem>>, %arg4: memref<32x32xf32, #tpu.memory_space<vmem>>, %arg5: memref<1000x128xf32, #tpu.memory_space<vmem>>) attributes {dimension_semantics = [#tpu.dimension_semantics<arbitrary>], iteration_bounds = array<i64: 10>, scalar_prefetch = 0 : i64, scratch_operands = 0 : i64, tpu.core_type = #tpu.core_type<tc>, window_params = [{transform_indices = @transform_0, window_bounds = array<i64: 2, 1000, 128>}, {transform_indices = @transform_1, window_bounds = array<i64: 1000, 128>}, {transform_indices = @transform_2, window_bounds = array<i64: 1000, 32>}, {pipeline_mode = #tpu.pipeline_mode<synchronous>, transform_indices = @transform_3, window_bounds = array<i64: 32, 32>}, {transform_indices = @transform_4, window_bounds = array<i64: 1000, 128>}]} {
    %get3A = arith.constant 0 : index
    %get3A_0 = arith.constant 0 : index
    %get3A_1 = arith.constant 0 : index
    %get3A_2 = vector.load %arg1[%get3A, %get3A_0, %get3A_1] : memref<2x1000x128xf32, #tpu.memory_space<vmem>>, vector<1x1000x32xf32>
    %get3A_3 = vector.shape_cast %get3A_2 : vector<1x1000x32xf32> to vector<1000x32xf32>
    %get3A_4 = arith.constant 1 : index
    %get3A_5 = arith.constant 0 : index
    %get3A_6 = arith.constant 0 : index
    %get3A_7 = vector.load %arg1[%get3A_4, %get3A_5, %get3A_6] : memref<2x1000x128xf32, #tpu.memory_space<vmem>>, vector<1x1000x32xf32>
    %get3A_8 = vector.shape_cast %get3A_7 : vector<1x1000x32xf32> to vector<1000x32xf32>
    %add3A = arith.addf %get3A_3, %get3A_8 : vector<1000x32xf32>
    %get3A_9 = arith.constant 0 : index
    %get3A_10 = arith.constant 0 : index
    %get3A_11 = vector.load %arg2[%get3A_9, %get3A_10] : memref<1000x128xf32, #tpu.memory_space<vmem>>, vector<1000x32xf32>
    %add3A_12 = arith.addf %add3A, %get3A_11 : vector<1000x32xf32>
    %get3A_13 = arith.constant 0 : index
    %get3A_14 = arith.constant 0 : index
    %get3A_15 = vector.load %arg3[%get3A_13, %get3A_14] : memref<1000x32xf32, #tpu.memory_space<vmem>>, vector<1000x32xf32>
    %mul3A = arith.mulf %get3A_15, %add3A_12 : vector<1000x32xf32>
    %max3A = arith.constant 0.000000e+00 : f32
    %max3A_16 = vector.broadcast %max3A : f32 to vector<1000x32xf32>
    %max3A_17 = arith.maximumf %mul3A, %max3A_16 : vector<1000x32xf32>
    %get3A_18 = arith.constant 0 : index
    %get3A_19 = arith.constant 0 : index
    %get3A_20 = vector.load %arg4[%get3A_18, %get3A_19] : memref<32x32xf32, #tpu.memory_space<vmem>>, vector<32x32xf32>
    %dot_general3A = arith.constant dense<0.000000e+00> : vector<1000x32xf32>
    %dot_general3A_21 = tpu.matmul %max3A_17, %get3A_20, %dot_general3A {dimension_numbers = #tpu.dot_dimension_numbers<[1], [0], [0], [1], [0, 0, 1, 1], [], []>, transpose_lhs_hint = false} : vector<1000x32xf32>, vector<32x32xf32>, vector<1000x32xf32> -> vector<1000x32xf32>
    %get3A_22 = arith.constant 0 : index
    %get3A_23 = arith.constant 0 : index
    %get3A_24 = vector.load %arg3[%get3A_22, %get3A_23] : memref<1000x32xf32, #tpu.memory_space<vmem>>, vector<1000x32xf32>
    %mul3A_25 = arith.mulf %get3A_24, %dot_general3A_21 : vector<1000x32xf32>
    %broadcast_in_dim3A = arith.constant 0.000000e+00 : f32
    %broadcast_in_dim3A_26 = vector.broadcast %broadcast_in_dim3A : f32 to vector<1000x96xf32>
    %concatenate3A = tpu.concatenate %mul3A_25, %broadcast_in_dim3A_26 in 1 : vector<1000x32xf32>, vector<1000x96xf32> -> vector<1000x128xf32>
    %swap3A = arith.constant 0 : index
    %swap3A_27 = arith.constant 0 : index
    %swap3A_28 = vector.load %arg5[%swap3A, %swap3A_27] : memref<1000x128xf32, #tpu.memory_space<vmem>>, vector<1000x128xf32>
    tpu.vector_store %arg5[%swap3A, %swap3A_27], %concatenate3A {strides = array<i32>} : memref<1000x128xf32, #tpu.memory_space<vmem>>, vector<1000x128xf32>,
    return
  }
  func.func @transform_0(%arg0: i32) -> (i32, i32, i32) {
    %c0_i32 = arith.constant 0 : i32
    %c0_i32_0 = arith.constant 0 : i32
    %c0_i32_1 = arith.constant 0 : i32
    return %c0_i32, %arg0, %c0_i32_0 : i32, i32, i32
  }
  func.func @transform_1(%arg0: i32) -> (i32, i32) {
    %c0_i32 = arith.constant 0 : i32
    %c0_i32_0 = arith.constant 0 : i32
    return %arg0, %c0_i32 : i32, i32
  }
  func.func @transform_2(%arg0: i32) -> (i32, i32) {
    %c0_i32 = arith.constant 0 : i32
    %c0_i32_0 = arith.constant 0 : i32
    return %arg0, %c0_i32 : i32, i32
  }
  func.func @transform_3(%arg0: i32) -> (i32, i32) {
    %c0_i32 = arith.constant 0 : i32
    %c0_i32_0 = arith.constant 0 : i32
    %c0_i32_1 = arith.constant 0 : i32
    return %c0_i32, %c0_i32_0 : i32, i32
  }
  func.func @transform_4(%arg0: i32) -> (i32, i32) {
    %c0_i32 = arith.constant 0 : i32
    %c0_i32_0 = arith.constant 0 : i32
    return %arg0, %c0_i32 : i32, i32
  }
}

module attributes {stable_mosaic.version = 14 : i64} {
  func.func @_encode_body(%arg0: i32, %arg1: memref<2x1000x128xf32, #tpu.memory_space<vmem>>, %arg2: memref<1000x128xf32, #tpu.memory_space<vmem>>, %arg3: memref<1000x32xf32, #tpu.memory_space<vmem>>, %arg4: memref<1000x16xf32, #tpu.memory_space<vmem>>, %arg5: memref<1000x16xf32, #tpu.memory_space<vmem>>) attributes {dimension_semantics = [#tpu.dimension_semantics<arbitrary>], iteration_bounds = array<i64: 10>, scalar_prefetch = 0 : i64, scratch_operands = 0 : i64, tpu.core_type = #tpu.core_type<tc>, window_params = [{transform_indices = @transform_0, window_bounds = array<i64: 2, 1000, 128>}, {transform_indices = @transform_1, window_bounds = array<i64: 1000, 128>}, {transform_indices = @transform_2, window_bounds = array<i64: 1000, 32>}, {transform_indices = @transform_3, window_bounds = array<i64: 1000, 16>}, {transform_indices = @transform_4, window_bounds = array<i64: 1000, 16>}]} {
    %get3A = arith.constant 0 : index
    %get3A_0 = arith.constant 0 : index
    %get3A_1 = vector.load %arg3[%get3A, %get3A_0] : memref<1000x32xf32, #tpu.memory_space<vmem>>, vector<1000x32xf32>
    %get3A_2 = arith.constant 0 : index
    %get3A_3 = arith.constant 0 : index
    %get3A_4 = arith.constant 0 : index
    %get3A_5 = vector.load %arg1[%get3A_2, %get3A_3, %get3A_4] : memref<2x1000x128xf32, #tpu.memory_space<vmem>>, vector<1x1000x32xf32>
    %get3A_6 = vector.shape_cast %get3A_5 : vector<1x1000x32xf32> to vector<1000x32xf32>
    %get3A_7 = arith.constant 1 : index
    %get3A_8 = arith.constant 0 : index
    %get3A_9 = arith.constant 0 : index
    %get3A_10 = vector.load %arg1[%get3A_7, %get3A_8, %get3A_9] : memref<2x1000x128xf32, #tpu.memory_space<vmem>>, vector<1x1000x32xf32>
    %get3A_11 = vector.shape_cast %get3A_10 : vector<1x1000x32xf32> to vector<1000x32xf32>
    %add3A = arith.addf %get3A_6, %get3A_11 : vector<1000x32xf32>
    %get3A_12 = arith.constant 0 : index
    %get3A_13 = arith.constant 0 : index
    %get3A_14 = vector.load %arg2[%get3A_12, %get3A_13] : memref<1000x128xf32, #tpu.memory_space<vmem>>, vector<1000x32xf32>
    %add3A_15 = arith.addf %add3A, %get3A_14 : vector<1000x32xf32>
    %mul3A = arith.mulf %get3A_1, %add3A_15 : vector<1000x32xf32>
    %slice3A = vector.extract_strided_slice %mul3A {offsets = [0, 0], sizes = [1000, 16], strides = [1, 1]} : vector<1000x32xf32> to vector<1000x16xf32>
    %slice3A_16 = vector.extract_strided_slice %mul3A {offsets = [0, 16], sizes = [1000, 16], strides = [1, 1]} : vector<1000x32xf32> to vector<1000x16xf32>
    %exp3A = math.exp %slice3A_16 : vector<1000x16xf32>
    %get3A_17 = arith.constant 0 : index
    %get3A_18 = arith.constant 0 : index
    %get3A_19 = vector.load %arg4[%get3A_17, %get3A_18] : memref<1000x16xf32, #tpu.memory_space<vmem>>, vector<1000x16xf32>
    %mul3A_20 = arith.mulf %exp3A, %get3A_19 : vector<1000x16xf32>
    %add3A_21 = arith.addf %slice3A, %mul3A_20 : vector<1000x16xf32>
    %swap3A = arith.constant 0 : index
    %swap3A_22 = arith.constant 0 : index
    %swap3A_23 = vector.load %arg5[%swap3A, %swap3A_22] : memref<1000x16xf32, #tpu.memory_space<vmem>>, vector<1000x16xf32>
    tpu.vector_store %arg5[%swap3A, %swap3A_22], %add3A_21 {strides = array<i32>} : memref<1000x16xf32, #tpu.memory_space<vmem>>, vector<1000x16xf32>,
    return
  }
  func.func @transform_0(%arg0: i32) -> (i32, i32, i32) {
    %c0_i32 = arith.constant 0 : i32
    %c0_i32_0 = arith.constant 0 : i32
    %c0_i32_1 = arith.constant 0 : i32
    return %c0_i32, %arg0, %c0_i32_0 : i32, i32, i32
  }
  func.func @transform_1(%arg0: i32) -> (i32, i32) {
    %c0_i32 = arith.constant 0 : i32
    %c0_i32_0 = arith.constant 0 : i32
    return %arg0, %c0_i32 : i32, i32
  }
  func.func @transform_2(%arg0: i32) -> (i32, i32) {
    %c0_i32 = arith.constant 0 : i32
    %c0_i32_0 = arith.constant 0 : i32
    return %arg0, %c0_i32 : i32, i32
  }
  func.func @transform_3(%arg0: i32) -> (i32, i32) {
    %c0_i32 = arith.constant 0 : i32
    %c0_i32_0 = arith.constant 0 : i32
    return %arg0, %c0_i32 : i32, i32
  }
  func.func @transform_4(%arg0: i32) -> (i32, i32) {
    %c0_i32 = arith.constant 0 : i32
    %c0_i32_0 = arith.constant 0 : i32
    return %arg0, %c0_i32 : i32, i32
  }
}

module attributes {stable_mosaic.version = 14 : i64} {
  func.func @_decode_body(%arg0: i32, %arg1: i32, %arg2: memref<512x16xf32, #tpu.memory_space<vmem>>, %arg3: memref<2048x16xf32, #tpu.memory_space<vmem>>, %arg4: memref<512x2048xf32, #tpu.memory_space<vmem>>) attributes {dimension_semantics = [#tpu.dimension_semantics<arbitrary>, #tpu.dimension_semantics<arbitrary>], iteration_bounds = array<i64: 20, 5>, scalar_prefetch = 0 : i64, scratch_operands = 0 : i64, tpu.core_type = #tpu.core_type<tc>, window_params = [{transform_indices = @transform_0, window_bounds = array<i64: 512, 16>}, {transform_indices = @transform_1, window_bounds = array<i64: 2048, 16>}, {transform_indices = @transform_2, window_bounds = array<i64: 512, 2048>}]} {
    %get3A = arith.constant 0 : index
    %get3A_0 = arith.constant 0 : index
    %get3A_1 = vector.load %arg2[%get3A, %get3A_0] : memref<512x16xf32, #tpu.memory_space<vmem>>, vector<512x16xf32>
    %get3A_2 = arith.constant 0 : index
    %get3A_3 = arith.constant 0 : index
    %get3A_4 = vector.load %arg3[%get3A_2, %get3A_3] : memref<2048x16xf32, #tpu.memory_space<vmem>>, vector<2048x16xf32>
    %dot_general3A = arith.constant dense<0.000000e+00> : vector<512x2048xf32>
    %dot_general3A_5 = tpu.matmul %get3A_1, %get3A_4, %dot_general3A {dimension_numbers = #tpu.dot_dimension_numbers<[1], [1], [0], [0], [0, 0, 1, 0], [], []>, transpose_lhs_hint = false} : vector<512x16xf32>, vector<2048x16xf32>, vector<512x2048xf32> -> vector<512x2048xf32>
    %logistic3A = arith.negf %dot_general3A_5 : vector<512x2048xf32>
    %logistic3A_6 = math.exp %logistic3A : vector<512x2048xf32>
    %logistic3A_7 = arith.constant 1.000000e+00 : f32
    %logistic3A_8 = vector.broadcast %logistic3A_7 : f32 to vector<512x2048xf32>
    %logistic3A_9 = arith.addf %logistic3A_8, %logistic3A_6 : vector<512x2048xf32>
    %logistic3A_10 = arith.divf %logistic3A_8, %logistic3A_9 : vector<512x2048xf32>
    %swap3A = arith.constant 0 : index
    %swap3A_11 = arith.constant 0 : index
    %swap3A_12 = vector.load %arg4[%swap3A, %swap3A_11] : memref<512x2048xf32, #tpu.memory_space<vmem>>, vector<512x2048xf32>
    tpu.vector_store %arg4[%swap3A, %swap3A_11], %logistic3A_10 {strides = array<i32>} : memref<512x2048xf32, #tpu.memory_space<vmem>>, vector<512x2048xf32>,
    return
  }
  func.func @transform_0(%arg0: i32, %arg1: i32) -> (i32, i32) {
    %c0_i32 = arith.constant 0 : i32
    %c0_i32_0 = arith.constant 0 : i32
    return %arg0, %c0_i32 : i32, i32
  }
  func.func @transform_1(%arg0: i32, %arg1: i32) -> (i32, i32) {
    %c0_i32 = arith.constant 0 : i32
    %c0_i32_0 = arith.constant 0 : i32
    return %arg1, %c0_i32 : i32, i32
  }
  func.func @transform_2(%arg0: i32, %arg1: i32) -> (i32, i32) {
    %c0_i32 = arith.constant 0 : i32
    return %arg0, %arg1 : i32, i32
  }
}

</mosaic_0001>

<sc_bundles>
// kernel: kernel.10.cloned.1.call-start
scs
__scs_entry_jumppad:
0x0: {  	(pc) =	sbr.rel $0x88, $3  }
0x1: {  	(tag) =	ssettag $0x0;
	lr =	simm.s32 $0x1  }
0x2: {  	[smem:$0x3F9C] =	sst lr;
	_ =	strace $0xD0000000  }
0x3: {  	_ = 	snop  }
0x4: {  	_ = 	snop  }
0x5: {  	_ = 	snop  }
0x6: {  	_ = 	snop  }
0x7: {  	_ = 	snop  }
__scs_overlays_trampoline_lowered:
0x8: {  	[smem:$0x3FAB] =	sst s0  }
0x9: {  	[smem:$0x3FAC] =	sst s1  }
0xa: {  	[smem:$0x3FAD] =	sst s2  }
0xb: {  	[smem:$0x3FAE] =	sst s3  }
0xc: {  	[smem:$0x3FAF] =	sst s4  }
0xd: {  	[smem:$0x3FB0] =	sst s5  }
0xe: {  	[smem:$0x3FB1] =	sst s6  }
0xf: {  	[smem:$0x3FB2] =	sst s7  }
0x10: {  	[smem:$0x3FB3] =	sst s8  }
0x11: {  	[smem:$0x3FB4] =	sst s9;
	s0 =	simm.s32 @!p0 $0x0  }
0x12: {  	s1 =	sld [smem:$0x3F9A];
	s0 =	simm.s32 @p0 $0x1  }
0x13: {  	[smem:$0x3FB5] =	sst s0;
	s0 =	simm.s32 @!p1 $0x0  }
0x14: {  	s2 =	sld [smem:$0x3F99];
	s0 =	simm.s32 @p1 $0x1  }
0x15: {  	[smem:$0x3FB6] =	sst s0;
	s0 =	simm.s32 @!p2 $0x0  }
0x16: {  	s3 =	sld [smem:$0x3FDB];
	s0 =	simm.s32 @p2 $0x1  }
0x17: {  	s4 =	simm.s32 $0x1BF5;
	[smem:$0x3FB8] =	sst s0  }
0x18: {  	s0 =	sld [smem:$0x3F9B];
	_ =	swait.ge [sflag:s4], $0x0  }
0x19: {  	s7 =	sld [smem:$0x3F9C]  }
0x1a: {  	s8 =	sadd.s32 $0xFFFFE003, lr  }
0x1b: {  	s9 =	sadd.s32 $0xFFFFFEF7, lr;
	s5 =	simm.s32 $0xFFFFFFFF;
	p2 =	slt.u32 s8, $0xFFFFF086  }
0x1c: {  	p1 =	slt.u32 s9, $0xF7A;
	s5 =	simm.s32 @!p2 $0x0  }
0x1d: {  	s5 =	simm.s32 @p1 $0x1;
	p0 =	seq.s32 s7, s2  }
0x1e: {  	s7 =	smul.u32 @!p0 $0xF7A, s2;
	p2 =	seq.s32 @!p0 s5, $0x0  }
0x1f: {  	s9 =	smul.u32 $0xF7A, s1;
	s8 =	simm.s32 @!p0 $0x1BF5;
	p2 =	por !p2, p0  }
0x20: {  	[sflag:s8] =	ssyncset.s32 @!p0 $0xFFFFF086;
	s6 =	sadd.s32 @!p0 s3, s7;
	s7 =	simm.s32 @!p0 $0x108  }
0x21: {  	s3 =	sadd.s32 s3, s9;
	s6 =	sadd.s32 @!p0 $0x88, s6;
	s7 =	simm.s32 @p2 $0x1082  }
0x22: {  	[simem:s7], [sflag:s8] =	dma.local @!p0 [hbm:s6], $0xF7A  }
0x23: {  	s9 =	sor.u32 $0xD0000000, s2;
	s6 =	simm.s32 $0x108;
	_ =	swait.ge @!p0 [sflag:s8], $0x0  }
0x24: {  	s3 =	sadd.s32 $0x88, s3;
	s6 =	simm.s32 @!p1 $0x1082;
	[sflag:s4] =	ssyncset.s32 $0xFFFFF086  }
0x25: {  	[simem:s6], [sflag:s4] =	dma.local [hbm:s3], $0xF7A  }
0x26: {  	[smem:$0x3F9C] =	sst s1;
	(tag) =	ssettag s2;
	_ =	strace s9  }
0x27: {  	s1 =	sld [smem:$0x3FAC]  }
0x28: {  	s2 =	sld [smem:$0x3FAD]  }
0x29: {  	s4 =	sld [smem:$0x3FAF]  }
0x2a: {  	p0 =	seq.s32 s5, $0x0;
	s5 =	sld [smem:$0x3FB0]  }
0x2b: {  	s6 =	sld [smem:$0x3FB1]  }
0x2c: {  	s7 =	sld [smem:$0x3FB2]  }
0x2d: {  	s3 =	simm.s32 $0x108;
	s8 =	sld [smem:$0x3FB3]  }
0x2e: {  	s3 =	simm.s32 @!p0 $0x1082;
	s9 =	sld [smem:$0x3FB4]  }
0x2f: {  	lr =	sadd.s32 s0, s3;
	s0 =	sld [smem:$0x3FAB]  }
0x30: {  	s3 =	sld [smem:$0x3FAE]  }
0x31: {  	[smem:$0x3FB7] =	sst s10  }
0x32: {  	s10 =	sld [smem:$0x3FB5];
	_ =	sdelay $0x3  }
0x33: {  	p0 =	seq.s32 s10, $0x1;
	s10 =	sld [smem:$0x3FB7];
	_ =	sdelay $0x3  }
0x34: {  	[smem:$0x3FB7] =	sst s10  }
0x35: {  	s10 =	sld [smem:$0x3FB6];
	_ =	sdelay $0x3  }
0x36: {  	p1 =	seq.s32 s10, $0x1;
	s10 =	sld [smem:$0x3FB7];
	_ =	sdelay $0x3  }
0x37: {  	[smem:$0x3FB7] =	sst s10  }
0x38: {  	s10 =	sld [smem:$0x3FB8]  }
0x39: {  	_ = 	snop;
	(pc) =	sbr.ind lr, $3  }
0x3a: {  	_ = 	snop  }
0x3b: {  	_ = 	snop  }
0x3c: {  	p2 =	seq.s32 s10, $0x1;
	s10 =	sld [smem:$0x3FB7]  }
0x3d: {  	_ =	shalt  }
0x3e: {  	_ =	shalt  }
0x3f: {  	_ =	shalt  }
0x40: {  	_ =	shalt  }
0x41: {  	_ =	shalt  }
0x42: {  	_ =	shalt  }
0x43: {  	_ =	shalt  }
0x44: {  	_ =	shalt  }
0x45: {  	_ =	shalt  }
0x46: {  	_ =	shalt  }
0x47: {  	_ =	shalt  }
0x48: {  	_ =	shalt  }
0x49: {  	_ =	shalt  }
0x4a: {  	_ =	shalt  }
0x4b: {  	_ =	shalt  }
0x4c: {  	_ =	shalt  }
0x4d: {  	_ =	shalt  }
0x4e: {  	_ =	shalt  }
0x4f: {  	_ =	shalt  }
0x50: {  	_ =	shalt  }
0x51: {  	_ =	shalt  }
0x52: {  	_ =	shalt  }
0x53: {  	_ =	shalt  }
0x54: {  	_ =	shalt  }
0x55: {  	_ =	shalt  }
0x56: {  	_ =	shalt  }
0x57: {  	_ =	shalt  }
0x58: {  	_ =	shalt  }
0x59: {  	_ =	shalt  }
0x5a: {  	_ =	shalt  }
0x5b: {  	_ =	shalt  }
0x5c: {  	_ =	shalt  }
0x5d: {  	_ =	shalt  }
0x5e: {  	_ =	shalt  }
0x5f: {  	_ =	shalt  }
0x60: {  	_ =	shalt  }
0x61: {  	_ =	shalt  }
0x62: {  	_ =	shalt  }
0x63: {  	_ =	shalt  }
0x64: {  	_ =	shalt  }
0x65: {  	_ =	shalt  }
0x66: {  	_ =	shalt  }
0x67: {  	_ =	shalt  }
0x68: {  	_ =	shalt  }
0x69: {  	_ =	shalt  }
0x6a: {  	_ =	shalt  }
0x6b: {  	_ =	shalt  }
0x6c: {  	_ =	shalt  }
0x6d: {  	_ =	shalt  }
0x6e: {  	_ =	shalt  }
0x6f: {  	_ =	shalt  }
0x70: {  	_ =	shalt  }
0x71: {  	_ =	shalt  }
0x72: {  	_ =	shalt  }
0x73: {  	_ =	shalt  }
0x74: {  	_ =	shalt  }
0x75: {  	_ =	shalt  }
0x76: {  	_ =	shalt  }
0x77: {  	_ =	shalt  }
0x78: {  	_ =	shalt  }
0x79: {  	_ =	shalt  }
0x7a: {  	_ =	shalt  }
0x7b: {  	_ =	shalt  }
0x7c: {  	_ =	shalt  }
0x7d: {  	_ =	shalt  }
0x7e: {  	_ =	shalt  }
0x7f: {  	_ =	shalt  }
0x80: {  	_ =	shalt  }
0x81: {  	_ =	shalt  }
0x82: {  	_ =	shalt  }
0x83: {  	_ =	shalt  }
0x84: {  	_ =	shalt  }
0x85: {  	_ =	shalt  }
0x86: {  	_ =	shalt  }
0x87: {  	_ =	shalt  }
.Lfunc_end0:
.L_simem_size_0:
called_computation_lowered:
.L_overlay_start_0:
0x88: {  	s2 =	sld [smem:$0x3FD9]  }
0x89: {  	s3 =	sld [smem:$0x3FFE];
	_ =	sdelay $0x1  }
0x8a: {  	s1 =	srdreg.scid  }
0x8b: {  	s0 =	sand.u32 $0x1, s1  }
0x8c: {  	s17 =	sshll.u32 s0, $0xA;
	s2 =	sadd.s32 s3, s2  }
0x8d: {  	s2 =	sadd.s32 s2, s17  }
0x8e: {  	[smem:$0x3FC3] =	sst s2  }
0x8f: {  	_ = 	snop  }
0x90: {  	s2 =	sld [smem:$0x3FD0];
	(tm) =	ssettm $0x1  }
0x91: {  	s18 =	sld [smem:$0x3FFB];
	_ =	sdelay $0x3  }
0x92: {  	_ =	strace s18  }
0x93: {  	s3 =	sld [smem:$0x3FFC];
	_ =	sdelay $0x3  }
0x94: {  	_ =	strace s3  }
0x95: {  	s3 =	sld [smem:$0x3FFD];
	_ =	sdelay $0x3  }
0x96: {  	_ =	strace s3  }
0x97: {  	_ =	strace $0x8FFFFFFF  }
0x98: {  	s19 =	sld [smem:$0x3FDB];
	_ =	sdelay $0x1  }
0x99: {  	s4 =	simm.s32 $_scs_section_size  }
0x9a: {  	s5 =	simm.s32 $_size__tile_overlayer_lowered;
	s6 =	simm.s32 $_tile_overlayer_lowered  }
0x9b: {  	s22 =	simm.s32 $0x1BFF;
	s21 =	sshll.u32 s6, $0x1;
	s3 =	sadd.s32 s4, s19  }
0x9c: {  	s7 =	simm.s32 $0x0;
	s20 =	sshll.u32 s5, $0x1;
	s5 =	sadd.s32 s21, s3  }
0x9d: {  	[timem:s7], [sflag:s22] =	dma.local [hbm:s5], s20  }
0x9e: {  	_ =	swait.ge [sflag:s22], s20  }
0x9f: {  	s4 =	ssub.s32 $0x0, s20;
	[sflag:s22] =	ssyncset.done $0x0  }
0xa0: {  	[sflag:s22] =	ssyncadd.s32 s4;
	_ =	sdelay $0x1  }
0xa1: {  	s23 =	simm.s32 $0x1B8B  }
0xa2: {  	_ =	swait.ge [sflag:s23], $0x1  }
0xa3: {  	[sflag:s23] =	ssyncset.done $0x0  }
0xa4: {  	s25 =	simm.s32 $0x1B8E;
	s24 =	sld [smem:$0x3FFE];
	[sflag:s23] =	ssyncadd.s32 $0xFFFFFFFF  }
0xa5: {  	s26 =	simm.s32 $execute0_lowered;
	[smem:$0x3FD2] =	sst s25  }
0xa6: {  	s5 =	sshll.u32 s26, $0x1;
	_ =	strace $0x80000046;
	[dreg:$0x1] =	wrdreg $0xFFFFFFFF  }
0xa7: {  	s28 =	simm.s32 $_size_execute0_lowered;
	s3 =	sadd.s32 s3, s5;
	[dreg:$0x0] =	wrdreg $0x0  }
0xa8: {  	s5 =	sshll.u32 s28, $0x1;
	[dreg:$0x2] =	wrdreg s3  }
0xa9: {  	[dreg:$0x3] =	wrdreg s5  }
0xaa: {  	[dreg:$0x4] =	wrdreg $0xC0  }
0xab: {  	_ =	task [dreg:s7], $0x5FFFF  }
0xac: {  	[dreg:$0x1] =	wrdreg $0xFFFFFFFF  }
0xad: {  	[dreg:$0x0] =	wrdreg $0x60  }
0xae: {  	[dreg:$0x2] =	wrdreg s24  }
0xaf: {  	[dreg:$0x3] =	wrdreg s2  }
0xb0: {  	[dreg:$0x4] =	wrdreg $0x68000  }
0xb1: {  	[dreg:$0x5] =	wrdreg $0x9  }
0xb2: {  	_ =	task.clear_ibuf [dreg:s7], $0x6FFFF;
	_ =	strace $0x90000046  }
0xb3: {  	s29 =	simm.s32 $0x9;
	_ =	strace $0x80000048  }
0xb4: {  	_ =	swait.ge [sflag:s29], $0x1  }
0xb5: {  	[sflag:s29] =	ssyncadd.s32 $0xFFFFFFFF  }
0xb6: {  	_ =	strace $0x90000048  }
0xb7: {  	_ =	sfence  }
0xb8: {  	s30 =	sld [smem:$0x0];
	_ =	sdelay $0x2  }
0xb9: {  	s31 =	sshll.u32 s1, $0xD;
	s1 =	sshrl.u32 s1, $0x2  }
0xba: {  	s3 =	sand.u32 $0x4000, s31;
	s1 =	sadd.s32 s1, s30  }
0xbb: {  	s0 =	sor.u32 s3, s0;
	s1 =	sshll.u32 s1, $0x11  }
0xbc: {  	s0 =	sor.u32 s1, s0  }
0xbd: {  	s0 =	sadd.s32 $0x8F2B, s0  }
0xbe: {  	[sflag:s0] =	ssyncadd.remote.s32 $0x1  }
0xbf: {  	_ =	sfence.sel $0xFFFF  }
0xc0: {  	[dreg:$0x0] =	wrdreg $0xFFFFFFFF;
	(pc) =	sbr.abs _section_cstart, $3  }
0xc1: {  	[dreg:$0x1] =	wrdreg $0xFFFFFFFF  }
0xc2: {  	_ =	task.clear_ibuf [dreg:s7], $0x2FFFF;
	_ =	strace $0x9FFFFFFF  }
0xc3: {  	(tm) =	ssettm $0x7FFFFFFF  }
tec
execute0_lowered:
.L_overlay_start_1:
0x0: {  	(tag) =	ssettag $0x1  }
0x1: {  	s5 =	rddreg [dreg:$0x0]  }
0x2: {  	s8 =	rddreg [dreg:$0x1];
	s1 =	srdreg.scid  }
0x3: {  	s0 =	stileid.u32;
	s2 =	rddreg [dreg:$0x2]  }
0x4: {  	s3 =	simm.s32 $0x0;
	s13 =	simm.s32 $0x80;
	s14 =	simm.s32 $0x0  }
0x5: {  	s6 =	sand.u32 $0x1, s1;
	s1 =	rddreg [dreg:$0x3];
	s7 =	smul.u32 $0x13C00, s0  }
0x6: {  	s4 =	sshll.u32 s0, $0x1;
	[smem:$0x7FF] =	sst s3;
	s10 =	smul.u32 $0x4F000, s0  }
0x7: {  	s4 =	sor.u32 s6, s4;
	s12 =	ssub.s32 $0x2, s6;
	s6 =	smul.u32 $0x13C000, s6  }
0x8: {  	s30 =	sshll.u32 s0, $0x6;
	_ =	strace $0x80000047;
	s4 =	smul.u32 $0x500, s4  }
0x9: {  	s11 =	sshrl.u32 s7, $0x3;
	s29 =	sshrl.u32 s12, $0x1;
	s10 =	sshrl.u32 s10, $0x2  }
0xa: {  	s10 =	sadd.s32 s10, s2;
	s6 =	sadd.s32 s7, s6;
	s9 =	sadd.s32 s4, s5  }
0xb: {  	s4 =	sadd.s32 $0xBE00, s5;
	s5 =	sadd.s32 s11, s5;
	s11 =	ssub.s32 s12, s29  }
0xc: {  	s31 =	sshrl.u32 s6, $0x3;
	s6 =	sor.u32 $0x1C01, s30;
	s10 =	sshrl.u32 s10, $0x3  }
0xd: {  	s12 =	simm.s32 $0x2800;
	s5 =	sadd.s32 $0xC600, s5;
	s7 =	sadd.s32 $0x1E00, s9  }
0xe: {  	s8 =	sadd.s32 s8, s31;
	s9 =	smax.u32 s11, $0x1;
	s11 =	simm.s32 $0x1  }
.LBB2_1:
0xf: {  	[spmem:s10], [sflag:s6] =	dma.local [hbm:s5], $0x2780  }
0x10: {  	_ =	swait.ge [sflag:s11], $0x2780  }
0x11: {  	[sflag:s11] =	ssyncset.done $0x0  }
0x12: {  	[sflag:s11] =	ssyncadd.s32 $0xFFFFD880  }
0x13: {  	[tilespmem:s3], [sflag:$0x1] =	stream.linear.gather [hbm4b:s7+s3], $0x2800, $0x38;
	[tilespmem:$0x1A400] =	vst v63  }
0x14: {  	_ =	swait.ge [sflag:s11], $0x2800  }
0x15: {  	[sflag:s11] =	ssyncset.done $0x0  }
0x16: {  	[sflag:s11] =	ssyncadd.s32 $0xFFFFD800  }
0x17: {  	[tilespmem:s12], [sflag:$0x1] =	stream.linear.gather [hbm4b:s4+s3], $0x4000, $0x38;
	[tilespmem:$0x1A400] =	vst v63  }
0x18: {  	_ =	swait.ge [sflag:s11], $0x4000  }
0x19: {  	[sflag:s11] =	ssyncset.done $0x0  }
0x1a: {  	[sflag:s11] =	ssyncadd.s32 $0xFFFFC000  }
0x1b: {  	s15 =	simm.s32 $0x0;
	[bflag:$0x0] =	sbarrier.arrive $0xFFFF  }
0x1c: {  	[spmem:s2] =	stream.indirect.scatter.add.f32 [tilespmem:s12], [sflag:$0x1], $0x80, s15, s13, $0xb8;
	[tilespmem:$0x1A400] =	vst v63  }
0x1d: {  	_ =	swait.ge [sflag:s11], $0x4000  }
0x1e: {  	s15 =	simm.s32 $0x200;
	[sflag:s11] =	ssyncset.done $0x0  }
.LBB2_2:
0x1f: {  	s16 =	sshra.s32 s15, $0x2;
	[sflag:s11] =	ssyncadd.s32 $0xFFFFC000;
	p0 =	sne.s32 s15, $0x9E00  }
0x20: {  	[spmem:s2] =	stream.indirect.scatter.add.f32 [tilespmem:s12], [sflag:$0x1], $0x80, s16, s13, $0xb8;
	[tilespmem:$0x1A400] =	vst v63  }
.Ltmp0:
0x21: {  	_ = 	snop;
	(pc) =	sbr.rel @p0 .LBB2_2-.Ltmp0, $4  }
0x22: {  	_ = 	snop  }
0x23: {  	s15 =	sadd.s32 $0x200, s15  }
0x24: {  	_ =	swait.ge [sflag:s11], $0x4000  }
0x25: {  	[sflag:s11] =	ssyncset.done $0x0  }
0x26: {  	s14 =	sadd.s32 $0x1, s14  }
0x27: {  	[sflag:s11] =	ssyncadd.s32 $0xFFFFC000;
	p0 =	sne.s32 s14, s9  }
.Ltmp1:
0x28: {  	[bflag:$0x0] =	sbarrier.arrive $0xFFFF;
	(pc) =	sbr.rel @p0 .LBB2_1-.Ltmp1, $4  }
0x29: {  	[hbm:s8], [sflag:s6] =	dma.local [spmem:s10], $0x2780  }
0x2a: {  	_ =	swait.ge [sflag:s11], $0x2780  }
0x2b: {  	[sflag:s11] =	ssyncset.done $0x0  }
0x2c: {  	[sflag:s11] =	ssyncadd.s32 $0xFFFFD880  }
0x2d: {  	_ =	sfence.sel $0x180000  }
0x2e: {  	[bflag:$0x0] =	sbarrier.arrive $0xFFFF  }
0x2f: {  	p0 =	sne.s32 s0, $0x0;
	_ =	strace $0x90000047  }
0x30: {  	s0 =	sadd.s32 @!p0 $0x100000, s1;
	[bflag:$0x2] =	sbarrier.arrive $0xFFFF  }
0x31: {  	[sflag:s0] =	ssyncadd.tile.s32 @!p0 $0x1;
	_ =	shalt  }
.Lfunc_end2:
_tile_overlayer_lowered:
.L_overlay_start_2:
0x32: {  	(tag) =	ssettag $0x2  }
0x33: {  	s0 =	rddreg [dreg:$0x0];
	s2 =	stileid.u32  }
0x34: {  	s1 =	rddreg [dreg:$0x1];
	p0 =	sne.s32 s2, $0x0  }
0x35: {  	s3 =	rddreg [dreg:$0x2];
	[bflag:$0x3] =	sbarrier.arrive $0xFFFF;
	s2 =	simm.s32 @!p0 $0x1C01  }
0x36: {  	[timem:s3], [sflag:s2] =	dma.local @!p0 [hbm:s0], s1  }
0x37: {  	s0 =	simm.s32 @!p0 $0x1  }
0x38: {  	_ =	swait.ge @!p0 [sflag:s0], s1  }
0x39: {  	s1 =	ssub.s32 @!p0 $0x0, s1;
	[sflag:s0] =	ssyncset.done @!p0 $0x0  }
0x3a: {  	[sflag:s0] =	ssyncadd.s32 @!p0 s1  }
0x3b: {  	[bflag:$0x3] =	sbarrier.arrive $0xFFFF  }
0x3c: {  	_ =	shalt  }

// kernel: kernel.13.cloned.1.call-start
scs
__scs_entry_jumppad:
0x0: {  	(pc) =	sbr.rel $0x88, $3  }
0x1: {  	(tag) =	ssettag $0x0;
	lr =	simm.s32 $0x1  }
0x2: {  	[smem:$0x3F9C] =	sst lr;
	_ =	strace $0xD0000000  }
0x3: {  	_ = 	snop  }
0x4: {  	_ = 	snop  }
0x5: {  	_ = 	snop  }
0x6: {  	_ = 	snop  }
0x7: {  	_ = 	snop  }
__scs_overlays_trampoline_lowered:
0x8: {  	[smem:$0x3FAB] =	sst s0  }
0x9: {  	[smem:$0x3FAC] =	sst s1  }
0xa: {  	[smem:$0x3FAD] =	sst s2  }
0xb: {  	[smem:$0x3FAE] =	sst s3  }
0xc: {  	[smem:$0x3FAF] =	sst s4  }
0xd: {  	[smem:$0x3FB0] =	sst s5  }
0xe: {  	[smem:$0x3FB1] =	sst s6  }
0xf: {  	[smem:$0x3FB2] =	sst s7  }
0x10: {  	[smem:$0x3FB3] =	sst s8  }
0x11: {  	[smem:$0x3FB4] =	sst s9;
	s0 =	simm.s32 @!p0 $0x0  }
0x12: {  	s1 =	sld [smem:$0x3F9A];
	s0 =	simm.s32 @p0 $0x1  }
0x13: {  	[smem:$0x3FB5] =	sst s0;
	s0 =	simm.s32 @!p1 $0x0  }
0x14: {  	s2 =	sld [smem:$0x3F99];
	s0 =	simm.s32 @p1 $0x1  }
0x15: {  	[smem:$0x3FB6] =	sst s0;
	s0 =	simm.s32 @!p2 $0x0  }
0x16: {  	s3 =	sld [smem:$0x3FDB];
	s0 =	simm.s32 @p2 $0x1  }
0x17: {  	s4 =	simm.s32 $0x1BF5;
	[smem:$0x3FB8] =	sst s0  }
0x18: {  	s0 =	sld [smem:$0x3F9B];
	_ =	swait.ge [sflag:s4], $0x0  }
0x19: {  	s7 =	sld [smem:$0x3F9C]  }
0x1a: {  	s8 =	sadd.s32 $0xFFFFE003, lr  }
0x1b: {  	s9 =	sadd.s32 $0xFFFFFEF7, lr;
	s5 =	simm.s32 $0xFFFFFFFF;
	p2 =	slt.u32 s8, $0xFFFFF086  }
0x1c: {  	p1 =	slt.u32 s9, $0xF7A;
	s5 =	simm.s32 @!p2 $0x0  }
0x1d: {  	s5 =	simm.s32 @p1 $0x1;
	p0 =	seq.s32 s7, s2  }
0x1e: {  	s7 =	smul.u32 @!p0 $0xF7A, s2;
	p2 =	seq.s32 @!p0 s5, $0x0  }
0x1f: {  	s9 =	smul.u32 $0xF7A, s1;
	s8 =	simm.s32 @!p0 $0x1BF5;
	p2 =	por !p2, p0  }
0x20: {  	[sflag:s8] =	ssyncset.s32 @!p0 $0xFFFFF086;
	s6 =	sadd.s32 @!p0 s3, s7;
	s7 =	simm.s32 @!p0 $0x108  }
0x21: {  	s3 =	sadd.s32 s3, s9;
	s6 =	sadd.s32 @!p0 $0x88, s6;
	s7 =	simm.s32 @p2 $0x1082  }
0x22: {  	[simem:s7], [sflag:s8] =	dma.local @!p0 [hbm:s6], $0xF7A  }
0x23: {  	s9 =	sor.u32 $0xD0000000, s2;
	s6 =	simm.s32 $0x108;
	_ =	swait.ge @!p0 [sflag:s8], $0x0  }
0x24: {  	s3 =	sadd.s32 $0x88, s3;
	s6 =	simm.s32 @!p1 $0x1082;
	[sflag:s4] =	ssyncset.s32 $0xFFFFF086  }
0x25: {  	[simem:s6], [sflag:s4] =	dma.local [hbm:s3], $0xF7A  }
0x26: {  	[smem:$0x3F9C] =	sst s1;
	(tag) =	ssettag s2;
	_ =	strace s9  }
0x27: {  	s1 =	sld [smem:$0x3FAC]  }
0x28: {  	s2 =	sld [smem:$0x3FAD]  }
0x29: {  	s4 =	sld [smem:$0x3FAF]  }
0x2a: {  	p0 =	seq.s32 s5, $0x0;
	s5 =	sld [smem:$0x3FB0]  }
0x2b: {  	s6 =	sld [smem:$0x3FB1]  }
0x2c: {  	s7 =	sld [smem:$0x3FB2]  }
0x2d: {  	s3 =	simm.s32 $0x108;
	s8 =	sld [smem:$0x3FB3]  }
0x2e: {  	s3 =	simm.s32 @!p0 $0x1082;
	s9 =	sld [smem:$0x3FB4]  }
0x2f: {  	lr =	sadd.s32 s0, s3;
	s0 =	sld [smem:$0x3FAB]  }
0x30: {  	s3 =	sld [smem:$0x3FAE]  }
0x31: {  	[smem:$0x3FB7] =	sst s10  }
0x32: {  	s10 =	sld [smem:$0x3FB5];
	_ =	sdelay $0x3  }
0x33: {  	p0 =	seq.s32 s10, $0x1;
	s10 =	sld [smem:$0x3FB7];
	_ =	sdelay $0x3  }
0x34: {  	[smem:$0x3FB7] =	sst s10  }
0x35: {  	s10 =	sld [smem:$0x3FB6];
	_ =	sdelay $0x3  }
0x36: {  	p1 =	seq.s32 s10, $0x1;
	s10 =	sld [smem:$0x3FB7];
	_ =	sdelay $0x3  }
0x37: {  	[smem:$0x3FB7] =	sst s10  }
0x38: {  	s10 =	sld [smem:$0x3FB8]  }
0x39: {  	_ = 	snop;
	(pc) =	sbr.ind lr, $3  }
0x3a: {  	_ = 	snop  }
0x3b: {  	_ = 	snop  }
0x3c: {  	p2 =	seq.s32 s10, $0x1;
	s10 =	sld [smem:$0x3FB7]  }
0x3d: {  	_ =	shalt  }
0x3e: {  	_ =	shalt  }
0x3f: {  	_ =	shalt  }
0x40: {  	_ =	shalt  }
0x41: {  	_ =	shalt  }
0x42: {  	_ =	shalt  }
0x43: {  	_ =	shalt  }
0x44: {  	_ =	shalt  }
0x45: {  	_ =	shalt  }
0x46: {  	_ =	shalt  }
0x47: {  	_ =	shalt  }
0x48: {  	_ =	shalt  }
0x49: {  	_ =	shalt  }
0x4a: {  	_ =	shalt  }
0x4b: {  	_ =	shalt  }
0x4c: {  	_ =	shalt  }
0x4d: {  	_ =	shalt  }
0x4e: {  	_ =	shalt  }
0x4f: {  	_ =	shalt  }
0x50: {  	_ =	shalt  }
0x51: {  	_ =	shalt  }
0x52: {  	_ =	shalt  }
0x53: {  	_ =	shalt  }
0x54: {  	_ =	shalt  }
0x55: {  	_ =	shalt  }
0x56: {  	_ =	shalt  }
0x57: {  	_ =	shalt  }
0x58: {  	_ =	shalt  }
0x59: {  	_ =	shalt  }
0x5a: {  	_ =	shalt  }
0x5b: {  	_ =	shalt  }
0x5c: {  	_ =	shalt  }
0x5d: {  	_ =	shalt  }
0x5e: {  	_ =	shalt  }
0x5f: {  	_ =	shalt  }
0x60: {  	_ =	shalt  }
0x61: {  	_ =	shalt  }
0x62: {  	_ =	shalt  }
0x63: {  	_ =	shalt  }
0x64: {  	_ =	shalt  }
0x65: {  	_ =	shalt  }
0x66: {  	_ =	shalt  }
0x67: {  	_ =	shalt  }
0x68: {  	_ =	shalt  }
0x69: {  	_ =	shalt  }
0x6a: {  	_ =	shalt  }
0x6b: {  	_ =	shalt  }
0x6c: {  	_ =	shalt  }
0x6d: {  	_ =	shalt  }
0x6e: {  	_ =	shalt  }
0x6f: {  	_ =	shalt  }
0x70: {  	_ =	shalt  }
0x71: {  	_ =	shalt  }
0x72: {  	_ =	shalt  }
0x73: {  	_ =	shalt  }
0x74: {  	_ =	shalt  }
0x75: {  	_ =	shalt  }
0x76: {  	_ =	shalt  }
0x77: {  	_ =	shalt  }
0x78: {  	_ =	shalt  }
0x79: {  	_ =	shalt  }
0x7a: {  	_ =	shalt  }
0x7b: {  	_ =	shalt  }
0x7c: {  	_ =	shalt  }
0x7d: {  	_ =	shalt  }
0x7e: {  	_ =	shalt  }
0x7f: {  	_ =	shalt  }
0x80: {  	_ =	shalt  }
0x81: {  	_ =	shalt  }
0x82: {  	_ =	shalt  }
0x83: {  	_ =	shalt  }
0x84: {  	_ =	shalt  }
0x85: {  	_ =	shalt  }
0x86: {  	_ =	shalt  }
0x87: {  	_ =	shalt  }
.Lfunc_end0:
.L_simem_size_0:
called_computation.1_lowered:
.L_overlay_start_0:
0x88: {  	s2 =	sld [smem:$0x3FD9]  }
0x89: {  	s3 =	sld [smem:$0x3FFE];
	_ =	sdelay $0x1  }
0x8a: {  	s1 =	srdreg.scid  }
0x8b: {  	s0 =	sand.u32 $0x1, s1  }
0x8c: {  	s17 =	sshll.u32 s0, $0xA;
	s2 =	sadd.s32 s3, s2  }
0x8d: {  	s2 =	sadd.s32 s2, s17  }
0x8e: {  	[smem:$0x3FC3] =	sst s2  }
0x8f: {  	_ = 	snop  }
0x90: {  	s2 =	sld [smem:$0x3FD0];
	(tm) =	ssettm $0x1  }
0x91: {  	s18 =	sld [smem:$0x3FFB];
	_ =	sdelay $0x3  }
0x92: {  	_ =	strace s18  }
0x93: {  	s3 =	sld [smem:$0x3FFC];
	_ =	sdelay $0x3  }
0x94: {  	_ =	strace s3  }
0x95: {  	s3 =	sld [smem:$0x3FFD];
	_ =	sdelay $0x3  }
0x96: {  	_ =	strace s3  }
0x97: {  	_ =	strace $0x8FFFFFFF  }
0x98: {  	s19 =	sld [smem:$0x3FDB];
	_ =	sdelay $0x1  }
0x99: {  	s4 =	simm.s32 $_scs_section_size  }
0x9a: {  	s5 =	simm.s32 $_size__tile_overlayer_lowered;
	s6 =	simm.s32 $_tile_overlayer_lowered  }
0x9b: {  	s22 =	simm.s32 $0x1BFF;
	s21 =	sshll.u32 s6, $0x1;
	s3 =	sadd.s32 s4, s19  }
0x9c: {  	s7 =	simm.s32 $0x0;
	s20 =	sshll.u32 s5, $0x1;
	s5 =	sadd.s32 s21, s3  }
0x9d: {  	[timem:s7], [sflag:s22] =	dma.local [hbm:s5], s20  }
0x9e: {  	_ =	swait.ge [sflag:s22], s20  }
0x9f: {  	s4 =	ssub.s32 $0x0, s20;
	[sflag:s22] =	ssyncset.done $0x0  }
0xa0: {  	[sflag:s22] =	ssyncadd.s32 s4;
	_ =	sdelay $0x1  }
0xa1: {  	s23 =	simm.s32 $0x1B8B  }
0xa2: {  	_ =	swait.ge [sflag:s23], $0x1  }
0xa3: {  	[sflag:s23] =	ssyncset.done $0x0  }
0xa4: {  	s25 =	simm.s32 $0x1B8E;
	s24 =	sld [smem:$0x3FFE];
	[sflag:s23] =	ssyncadd.s32 $0xFFFFFFFF  }
0xa5: {  	s26 =	simm.s32 $execute0_lowered;
	[smem:$0x3FD2] =	sst s25  }
0xa6: {  	s5 =	sshll.u32 s26, $0x1;
	_ =	strace $0x80000049;
	[dreg:$0x1] =	wrdreg $0xFFFFFFFF  }
0xa7: {  	s28 =	simm.s32 $_size_execute0_lowered;
	s3 =	sadd.s32 s3, s5;
	[dreg:$0x0] =	wrdreg $0x0  }
0xa8: {  	s5 =	sshll.u32 s28, $0x1;
	[dreg:$0x2] =	wrdreg s3  }
0xa9: {  	[dreg:$0x3] =	wrdreg s5  }
0xaa: {  	[dreg:$0x4] =	wrdreg $0xC0  }
0xab: {  	_ =	task [dreg:s7], $0x5FFFF  }
0xac: {  	[dreg:$0x1] =	wrdreg $0xFFFFFFFF  }
0xad: {  	[dreg:$0x0] =	wrdreg $0x60  }
0xae: {  	[dreg:$0x2] =	wrdreg s24  }
0xaf: {  	[dreg:$0x3] =	wrdreg s2  }
0xb0: {  	[dreg:$0x4] =	wrdreg $0xA9000  }
0xb1: {  	[dreg:$0x5] =	wrdreg $0x9  }
0xb2: {  	_ =	task.clear_ibuf [dreg:s7], $0x6FFFF;
	_ =	strace $0x90000049  }
0xb3: {  	s29 =	simm.s32 $0x9;
	_ =	strace $0x8000004B  }
0xb4: {  	_ =	swait.ge [sflag:s29], $0x1  }
0xb5: {  	[sflag:s29] =	ssyncadd.s32 $0xFFFFFFFF  }
0xb6: {  	_ =	strace $0x9000004B  }
0xb7: {  	_ =	sfence  }
0xb8: {  	s30 =	sld [smem:$0x0];
	_ =	sdelay $0x2  }
0xb9: {  	s31 =	sshll.u32 s1, $0xD;
	s1 =	sshrl.u32 s1, $0x2  }
0xba: {  	s3 =	sand.u32 $0x4000, s31;
	s1 =	sadd.s32 s1, s30  }
0xbb: {  	s0 =	sor.u32 s3, s0;
	s1 =	sshll.u32 s1, $0x11  }
0xbc: {  	s0 =	sor.u32 s1, s0  }
0xbd: {  	s0 =	sadd.s32 $0x8F2B, s0  }
0xbe: {  	[sflag:s0] =	ssyncadd.remote.s32 $0x1  }
0xbf: {  	_ =	sfence.sel $0xFFFF  }
0xc0: {  	[dreg:$0x0] =	wrdreg $0xFFFFFFFF;
	(pc) =	sbr.abs _section_cstart, $3  }
0xc1: {  	[dreg:$0x1] =	wrdreg $0xFFFFFFFF  }
0xc2: {  	_ =	task.clear_ibuf [dreg:s7], $0x2FFFF;
	_ =	strace $0x9FFFFFFF  }
0xc3: {  	(tm) =	ssettm $0x7FFFFFFF  }
tec
execute0_lowered:
.L_overlay_start_1:
0x0: {  	(tag) =	ssettag $0x1  }
0x1: {  	s7 =	rddreg [dreg:$0x0]  }
0x2: {  	s1 =	srdreg.scid;
	s10 =	rddreg [dreg:$0x1]  }
0x3: {  	s0 =	stileid.u32;
	s2 =	rddreg [dreg:$0x2]  }
0x4: {  	s3 =	simm.s32 $0x0;
	s16 =	simm.s32 $0x80;
	s17 =	simm.s32 $0x2900  }
0x5: {  	s18 =	simm.s32 $0x6900;
	s19 =	simm.s32 $0x3;
	s20 =	simm.s32 $0x1  }
0x6: {  	s21 =	simm.s32 $0x4;
	s22 =	simm.s32 $0x2;
	s23 =	simm.s32 $0x0  }
0x7: {  	s8 =	sand.u32 $0x1, s1;
	s30 =	sshll.u32 s0, $0x1;
	s1 =	rddreg [dreg:$0x3]  }
0x8: {  	[smem:$0x7FF] =	sst s3;
	s11 =	smul.u32 $0x13C00, s0;
	s6 =	sadd.s32 $0x3DE00, s7  }
0x9: {  	s13 =	smul.u32 $0x4F000, s0;
	s31 =	sshll.u32 s0, $0x6;
	s4 =	sor.u32 s8, s30  }
0xa: {  	_ =	strace $0x8000004A;
	s12 =	ssub.s32 $0x2, s8;
	s8 =	smul.u32 $0x13C000, s8  }
0xb: {  	s4 =	smul.u32 $0x2800, s4;
	s15 =	sshrl.u32 s12, $0x1;
	s13 =	sshrl.u32 s13, $0x2  }
0xc: {  	s14 =	sshrl.u32 s11, $0x3;
	s12 =	ssub.s32 s12, s15;
	s13 =	sadd.s32 s13, s2  }
0xd: {  	s11 =	sadd.s32 s11, s8;
	s8 =	sor.u32 $0x1C05, s31;
	s5 =	sshrl.u32 s4, $0x3  }
0xe: {  	s15 =	simm.s32 $0x2880;
	s11 =	sshrl.u32 s11, $0x3;
	s9 =	sadd.s32 s5, s7  }
0xf: {  	s5 =	sadd.s32 $0x1E00, s7;
	s7 =	sadd.s32 s14, s7;
	s10 =	sadd.s32 s10, s11  }
0x10: {  	s11 =	smax.u32 s12, $0x1;
	s12 =	sshrl.u32 s13, $0x3;
	s13 =	simm.s32 $0x5  }
0x11: {  	s14 =	simm.s32 $0x2800;
	s7 =	sadd.s32 $0xC600, s7;
	s9 =	sadd.s32 $0x33E00, s9  }
.LBB2_1:
0x12: {  	[spmem:s12], [sflag:s8] =	dma.local [hbm:s7], $0x2780  }
0x13: {  	_ =	swait.ge [sflag:s13], $0x2780  }
0x14: {  	s24 =	simm.s32 $0x0;
	[sflag:s13] =	ssyncset.done $0x0  }
0x15: {  	s25 =	sand.u32 $0x3C00, s24;
	[sflag:s13] =	ssyncadd.s32 $0xFFFFD880  }
0x16: {  	[tilespmem:s3], [sflag:$0x5] =	stream.linear.gather [hbm4b:s9+s3], $0x2800, $0x38;
	[tilespmem:$0x1E500] =	vst v63  }
0x17: {  	s24 =	sand.u32 $0x300, s24;
	s25 =	sadd.s32 s4, s25;
	_ =	swait.ge [sflag:s13], $0x2800  }
0x18: {  	s26 =	sand.u32 $0x380, s16;
	s24 =	sor.u32 s24, s25;
	[sflag:s13] =	ssyncset.done $0x0  }
0x19: {  	s25 =	sor.u32 s25, s26;
	s24 =	sshrl.u32 s24, $0x3;
	[sflag:s13] =	ssyncadd.s32 $0xFFFFD800  }
0x1a: {  	s25 =	sshrl.u32 s25, $0x3;
	s24 =	sadd.s32 s5, s24;
	[bflag:$0x0] =	sbarrier.arrive $0xFFFF  }
0x1b: {  	[tilespmem:s14], [sflag:$0x1] =	stream.linear.gather [hbm4b:s24+s3], $0x80, $0x38;
	[tilespmem:$0x1E500] =	vst v63  }
0x1c: {  	s29 =	sadd.s32 s5, s25  }
0x1d: {  	[tilespmem:s15], [sflag:$0x2] =	stream.linear.gather [hbm4b:s29+s3], $0x80, $0x38;
	[tilespmem:$0x1E500] =	vst v63  }
0x1e: {  	_ = 	snop  }
0x1f: {  	[tilespmem:s17], [sflag:$0x3] =	stream.indirect.gather [hbm4b:s6+s16], $0x80, s3, s16, $0xb8;
	[tilespmem:$0x1E500] =	vst v63  }
0x20: {  	s30 =	simm.s32 $0x80  }
0x21: {  	[tilespmem:s18], [sflag:$0x4] =	stream.indirect.gather [hbm4b:s6+s16], $0x80, s30, s16, $0xb8;
	[tilespmem:$0x1E500] =	vst v63  }
0x22: {  	_ =	swait.ge [sflag:s19], $0x4000  }
0x23: {  	[sflag:s19] =	ssyncset.done $0x0  }
0x24: {  	[sflag:s19] =	ssyncadd.s32 $0xFFFFC000  }
0x25: {  	_ =	swait.ge [sflag:s20], $0x80  }
0x26: {  	[sflag:s20] =	ssyncset.done $0x0  }
0x27: {  	[sflag:s20] =	ssyncadd.s32 $0xFFFFFF80  }
0x28: {  	[spmem:s2] =	stream.indirect.scatter.add.f32 [tilespmem:s17], [sflag:$0x5], $0x80, s14, s16, $0xb8;
	[tilespmem:$0x1E500] =	vst v63  }
0x29: {  	_ =	swait.ge [sflag:s13], $0x4000  }
0x2a: {  	[sflag:s13] =	ssyncset.done $0x0  }
0x2b: {  	[sflag:s13] =	ssyncadd.s32 $0xFFFFC000  }
0x2c: {  	s31 =	simm.s32 $0x180;
	s28 =	simm.s32 $0x100;
	_ =	swait.ge [sflag:s21], $0x4000  }
0x2d: {  	s26 =	sand.u32 $0x380, s31;
	s25 =	simm.s32 $0x280;
	[sflag:s21] =	ssyncset.done $0x0  }
0x2e: {  	s24 =	simm.s32 $0x100;
	s29 =	sand.u32 $0x3C00, s28;
	[sflag:s21] =	ssyncadd.s32 $0xFFFFC000  }
0x2f: {  	s28 =	sand.u32 $0x300, s28;
	s29 =	sadd.s32 s4, s29;
	_ =	swait.ge [sflag:s22], $0x80  }
0x30: {  	s28 =	sor.u32 s28, s29;
	s26 =	sor.u32 s29, s26;
	[sflag:s22] =	ssyncset.done $0x0  }
0x31: {  	s28 =	sshrl.u32 s28, $0x3;
	s26 =	sshrl.u32 s26, $0x3;
	[sflag:s22] =	ssyncadd.s32 $0xFFFFFF80  }
.LBB2_2:
0x32: {  	[spmem:s2] =	stream.indirect.scatter.add.f32 [tilespmem:s18], [sflag:$0x5], $0x80, s15, s16, $0xb8;
	[tilespmem:$0x1E500] =	vst v63  }
0x33: {  	s29 =	smov.u32 s25  }
0x34: {  	p0 =	sne.s32 s25, $0x2780;
	s25 =	sadd.s32 $0x100, s25;
	_ =	swait.ge [sflag:s13], $0x4000  }
0x35: {  	[sflag:s13] =	ssyncset.done $0x0  }
0x36: {  	s28 =	sadd.s32 s5, s28;
	[sflag:s13] =	ssyncadd.s32 $0xFFFFC000  }
0x37: {  	[tilespmem:s14], [sflag:$0x1] =	stream.linear.gather [hbm4b:s28+s3], $0x80, $0x38;
	[tilespmem:$0x1E500] =	vst v63  }
0x38: {  	s26 =	sadd.s32 s5, s26  }
0x39: {  	[tilespmem:s15], [sflag:$0x2] =	stream.linear.gather [hbm4b:s26+s3], $0x80, $0x38;
	[tilespmem:$0x1E500] =	vst v63  }
0x3a: {  	_ = 	snop  }
0x3b: {  	[tilespmem:s17], [sflag:$0x3] =	stream.indirect.gather [hbm4b:s6+s16], $0x80, s24, s16, $0xb8;
	[tilespmem:$0x1E500] =	vst v63  }
0x3c: {  	s26 =	sadd.s32 $0x80, s24  }
0x3d: {  	[tilespmem:s18], [sflag:$0x4] =	stream.indirect.gather [hbm4b:s6+s16], $0x80, s26, s16, $0xb8;
	[tilespmem:$0x1E500] =	vst v63  }
0x3e: {  	_ =	swait.ge [sflag:s19], $0x4000  }
0x3f: {  	[sflag:s19] =	ssyncset.done $0x0  }
0x40: {  	[sflag:s19] =	ssyncadd.s32 $0xFFFFC000  }
0x41: {  	_ =	swait.ge [sflag:s20], $0x80  }
0x42: {  	[sflag:s20] =	ssyncset.done $0x0  }
0x43: {  	[sflag:s20] =	ssyncadd.s32 $0xFFFFFF80  }
0x44: {  	[spmem:s2] =	stream.indirect.scatter.add.f32 [tilespmem:s17], [sflag:$0x5], $0x80, s14, s16, $0xb8;
	[tilespmem:$0x1E500] =	vst v63  }
0x45: {  	_ =	swait.ge [sflag:s13], $0x4000  }
0x46: {  	[sflag:s13] =	ssyncset.done $0x0  }
0x47: {  	[sflag:s13] =	ssyncadd.s32 $0xFFFFC000  }
0x48: {  	s24 =	sadd.s32 $0x100, s24;
	_ =	swait.ge [sflag:s21], $0x4000  }
.Ltmp0:
0x49: {  	s26 =	sadd.s32 $0xFFFFFF80, s29;
	[sflag:s21] =	ssyncset.done $0x0;
	(pc) =	sbr.rel @p0 .LBB2_2-.Ltmp0, $4  }
0x4a: {  	s29 =	sand.u32 $0x380, s29;
	s28 =	sand.u32 $0x3C00, s26;
	[sflag:s21] =	ssyncadd.s32 $0xFFFFC000  }
0x4b: {  	s26 =	sand.u32 $0x300, s26;
	s28 =	sadd.s32 s4, s28;
	_ =	swait.ge [sflag:s22], $0x80  }
0x4c: {  	s26 =	sor.u32 s26, s28;
	s29 =	sor.u32 s28, s29;
	[sflag:s22] =	ssyncset.done $0x0  }
0x4d: {  	s28 =	sshrl.u32 s26, $0x3;
	s26 =	sshrl.u32 s29, $0x3;
	[sflag:s22] =	ssyncadd.s32 $0xFFFFFF80  }
0x4e: {  	[spmem:s2] =	stream.indirect.scatter.add.f32 [tilespmem:s18], [sflag:$0x5], $0x80, s15, s16, $0xb8;
	[tilespmem:$0x1E500] =	vst v63  }
0x4f: {  	_ =	swait.ge [sflag:s13], $0x4000  }
0x50: {  	[sflag:s13] =	ssyncset.done $0x0  }
0x51: {  	s25 =	sadd.s32 s5, s28;
	[sflag:s13] =	ssyncadd.s32 $0xFFFFC000  }
0x52: {  	[tilespmem:s14], [sflag:$0x1] =	stream.linear.gather [hbm4b:s25+s3], $0x80, $0x38;
	[tilespmem:$0x1E500] =	vst v63  }
0x53: {  	s30 =	sadd.s32 s5, s26  }
0x54: {  	[tilespmem:s15], [sflag:$0x2] =	stream.linear.gather [hbm4b:s30+s3], $0x80, $0x38;
	[tilespmem:$0x1E500] =	vst v63  }
0x55: {  	_ = 	snop  }
0x56: {  	[tilespmem:s17], [sflag:$0x3] =	stream.indirect.gather [hbm4b:s6+s16], $0x80, s24, s16, $0xb8;
	[tilespmem:$0x1E500] =	vst v63  }
0x57: {  	s31 =	sadd.s32 $0x80, s24  }
0x58: {  	[tilespmem:s18], [sflag:$0x4] =	stream.indirect.gather [hbm4b:s6+s16], $0x80, s31, s16, $0xb8;
	[tilespmem:$0x1E500] =	vst v63  }
0x59: {  	_ =	swait.ge [sflag:s19], $0x4000  }
0x5a: {  	[sflag:s19] =	ssyncset.done $0x0  }
0x5b: {  	[sflag:s19] =	ssyncadd.s32 $0xFFFFC000  }
0x5c: {  	_ =	swait.ge [sflag:s20], $0x80  }
0x5d: {  	[sflag:s20] =	ssyncset.done $0x0  }
0x5e: {  	[sflag:s20] =	ssyncadd.s32 $0xFFFFFF80  }
0x5f: {  	[spmem:s2] =	stream.indirect.scatter.add.f32 [tilespmem:s17], [sflag:$0x5], $0x80, s14, s16, $0xb8;
	[tilespmem:$0x1E500] =	vst v63  }
0x60: {  	_ =	swait.ge [sflag:s13], $0x4000  }
0x61: {  	[sflag:s13] =	ssyncset.done $0x0  }
0x62: {  	[sflag:s13] =	ssyncadd.s32 $0xFFFFC000  }
0x63: {  	_ =	swait.ge [sflag:s21], $0x4000  }
0x64: {  	[sflag:s21] =	ssyncset.done $0x0  }
0x65: {  	[sflag:s21] =	ssyncadd.s32 $0xFFFFC000  }
0x66: {  	_ =	swait.ge [sflag:s22], $0x80  }
0x67: {  	[sflag:s22] =	ssyncset.done $0x0  }
0x68: {  	[sflag:s22] =	ssyncadd.s32 $0xFFFFFF80  }
0x69: {  	[spmem:s2] =	stream.indirect.scatter.add.f32 [tilespmem:s18], [sflag:$0x5], $0x80, s15, s16, $0xb8;
	[tilespmem:$0x1E500] =	vst v63  }
0x6a: {  	_ =	swait.ge [sflag:s13], $0x4000  }
0x6b: {  	s23 =	sadd.s32 $0x1, s23;
	[sflag:s13] =	ssyncset.done $0x0  }
0x6c: {  	p0 =	sne.s32 s23, s11;
	[sflag:s13] =	ssyncadd.s32 $0xFFFFC000  }
.Ltmp1:
0x6d: {  	[bflag:$0x0] =	sbarrier.arrive $0xFFFF;
	(pc) =	sbr.rel @p0 .LBB2_1-.Ltmp1, $4  }
0x6e: {  	[hbm:s10], [sflag:s8] =	dma.local [spmem:s12], $0x2780  }
0x6f: {  	_ =	swait.ge [sflag:s13], $0x2780  }
0x70: {  	[sflag:s13] =	ssyncset.done $0x0  }
0x71: {  	[sflag:s13] =	ssyncadd.s32 $0xFFFFD880  }
0x72: {  	_ =	sfence.sel $0x180000  }
0x73: {  	[bflag:$0x0] =	sbarrier.arrive $0xFFFF  }
0x74: {  	p0 =	sne.s32 s0, $0x0;
	_ =	strace $0x9000004A  }
0x75: {  	s0 =	sadd.s32 @!p0 $0x100000, s1;
	[bflag:$0x2] =	sbarrier.arrive $0xFFFF  }
0x76: {  	[sflag:s0] =	ssyncadd.tile.s32 @!p0 $0x1;
	_ =	shalt  }
.Lfunc_end2:
_tile_overlayer_lowered:
.L_overlay_start_2:
0x77: {  	(tag) =	ssettag $0x2  }
0x78: {  	s0 =	rddreg [dreg:$0x0];
	s2 =	stileid.u32  }
0x79: {  	s1 =	rddreg [dreg:$0x1];
	p0 =	sne.s32 s2, $0x0  }
0x7a: {  	s3 =	rddreg [dreg:$0x2];
	[bflag:$0x3] =	sbarrier.arrive $0xFFFF;
	s2 =	simm.s32 @!p0 $0x1C05  }
0x7b: {  	[timem:s3], [sflag:s2] =	dma.local @!p0 [hbm:s0], s1  }
0x7c: {  	s0 =	simm.s32 @!p0 $0x5  }
0x7d: {  	_ =	swait.ge @!p0 [sflag:s0], s1  }
0x7e: {  	s1 =	ssub.s32 @!p0 $0x0, s1;
	[sflag:s0] =	ssyncset.done @!p0 $0x0  }
0x7f: {  	[sflag:s0] =	ssyncadd.s32 @!p0 s1  }
0x80: {  	[bflag:$0x3] =	sbarrier.arrive $0xFFFF  }
0x81: {  	_ =	shalt  }

// kernel: kernel.16.cloned.1.call-start
scs
__scs_entry_jumppad:
0x0: {  	(pc) =	sbr.rel $0x88, $3  }
0x1: {  	(tag) =	ssettag $0x0;
	lr =	simm.s32 $0x1  }
0x2: {  	[smem:$0x3F9C] =	sst lr;
	_ =	strace $0xD0000000  }
0x3: {  	_ = 	snop  }
0x4: {  	_ = 	snop  }
0x5: {  	_ = 	snop  }
0x6: {  	_ = 	snop  }
0x7: {  	_ = 	snop  }
__scs_overlays_trampoline_lowered:
0x8: {  	[smem:$0x3FAB] =	sst s0  }
0x9: {  	[smem:$0x3FAC] =	sst s1  }
0xa: {  	[smem:$0x3FAD] =	sst s2  }
0xb: {  	[smem:$0x3FAE] =	sst s3  }
0xc: {  	[smem:$0x3FAF] =	sst s4  }
0xd: {  	[smem:$0x3FB0] =	sst s5  }
0xe: {  	[smem:$0x3FB1] =	sst s6  }
0xf: {  	[smem:$0x3FB2] =	sst s7  }
0x10: {  	[smem:$0x3FB3] =	sst s8  }
0x11: {  	[smem:$0x3FB4] =	sst s9;
	s0 =	simm.s32 @!p0 $0x0  }
0x12: {  	s1 =	sld [smem:$0x3F9A];
	s0 =	simm.s32 @p0 $0x1  }
0x13: {  	[smem:$0x3FB5] =	sst s0;
	s0 =	simm.s32 @!p1 $0x0  }
0x14: {  	s2 =	sld [smem:$0x3F99];
	s0 =	simm.s32 @p1 $0x1  }
0x15: {  	[smem:$0x3FB6] =	sst s0;
	s0 =	simm.s32 @!p2 $0x0  }
0x16: {  	s3 =	sld [smem:$0x3FDB];
	s0 =	simm.s32 @p2 $0x1  }
0x17: {  	s4 =	simm.s32 $0x1BF5;
	[smem:$0x3FB8] =	sst s0  }
0x18: {  	s0 =	sld [smem:$0x3F9B];
	_ =	swait.ge [sflag:s4], $0x0  }
0x19: {  	s7 =	sld [smem:$0x3F9C]  }
0x1a: {  	s8 =	sadd.s32 $0xFFFFE003, lr  }
0x1b: {  	s9 =	sadd.s32 $0xFFFFFEF7, lr;
	s5 =	simm.s32 $0xFFFFFFFF;
	p2 =	slt.u32 s8, $0xFFFFF086  }
0x1c: {  	p1 =	slt.u32 s9, $0xF7A;
	s5 =	simm.s32 @!p2 $0x0  }
0x1d: {  	s5 =	simm.s32 @p1 $0x1;
	p0 =	seq.s32 s7, s2  }
0x1e: {  	s7 =	smul.u32 @!p0 $0xF7A, s2;
	p2 =	seq.s32 @!p0 s5, $0x0  }
0x1f: {  	s9 =	smul.u32 $0xF7A, s1;
	s8 =	simm.s32 @!p0 $0x1BF5;
	p2 =	por !p2, p0  }
0x20: {  	[sflag:s8] =	ssyncset.s32 @!p0 $0xFFFFF086;
	s6 =	sadd.s32 @!p0 s3, s7;
	s7 =	simm.s32 @!p0 $0x108  }
0x21: {  	s3 =	sadd.s32 s3, s9;
	s6 =	sadd.s32 @!p0 $0x88, s6;
	s7 =	simm.s32 @p2 $0x1082  }
0x22: {  	[simem:s7], [sflag:s8] =	dma.local @!p0 [hbm:s6], $0xF7A  }
0x23: {  	s9 =	sor.u32 $0xD0000000, s2;
	s6 =	simm.s32 $0x108;
	_ =	swait.ge @!p0 [sflag:s8], $0x0  }
0x24: {  	s3 =	sadd.s32 $0x88, s3;
	s6 =	simm.s32 @!p1 $0x1082;
	[sflag:s4] =	ssyncset.s32 $0xFFFFF086  }
0x25: {  	[simem:s6], [sflag:s4] =	dma.local [hbm:s3], $0xF7A  }
0x26: {  	[smem:$0x3F9C] =	sst s1;
	(tag) =	ssettag s2;
	_ =	strace s9  }
0x27: {  	s1 =	sld [smem:$0x3FAC]  }
0x28: {  	s2 =	sld [smem:$0x3FAD]  }
0x29: {  	s4 =	sld [smem:$0x3FAF]  }
0x2a: {  	p0 =	seq.s32 s5, $0x0;
	s5 =	sld [smem:$0x3FB0]  }
0x2b: {  	s6 =	sld [smem:$0x3FB1]  }
0x2c: {  	s7 =	sld [smem:$0x3FB2]  }
0x2d: {  	s3 =	simm.s32 $0x108;
	s8 =	sld [smem:$0x3FB3]  }
0x2e: {  	s3 =	simm.s32 @!p0 $0x1082;
	s9 =	sld [smem:$0x3FB4]  }
0x2f: {  	lr =	sadd.s32 s0, s3;
	s0 =	sld [smem:$0x3FAB]  }
0x30: {  	s3 =	sld [smem:$0x3FAE]  }
0x31: {  	[smem:$0x3FB7] =	sst s10  }
0x32: {  	s10 =	sld [smem:$0x3FB5];
	_ =	sdelay $0x3  }
0x33: {  	p0 =	seq.s32 s10, $0x1;
	s10 =	sld [smem:$0x3FB7];
	_ =	sdelay $0x3  }
0x34: {  	[smem:$0x3FB7] =	sst s10  }
0x35: {  	s10 =	sld [smem:$0x3FB6];
	_ =	sdelay $0x3  }
0x36: {  	p1 =	seq.s32 s10, $0x1;
	s10 =	sld [smem:$0x3FB7];
	_ =	sdelay $0x3  }
0x37: {  	[smem:$0x3FB7] =	sst s10  }
0x38: {  	s10 =	sld [smem:$0x3FB8]  }
0x39: {  	_ = 	snop;
	(pc) =	sbr.ind lr, $3  }
0x3a: {  	_ = 	snop  }
0x3b: {  	_ = 	snop  }
0x3c: {  	p2 =	seq.s32 s10, $0x1;
	s10 =	sld [smem:$0x3FB7]  }
0x3d: {  	_ =	shalt  }
0x3e: {  	_ =	shalt  }
0x3f: {  	_ =	shalt  }
0x40: {  	_ =	shalt  }
0x41: {  	_ =	shalt  }
0x42: {  	_ =	shalt  }
0x43: {  	_ =	shalt  }
0x44: {  	_ =	shalt  }
0x45: {  	_ =	shalt  }
0x46: {  	_ =	shalt  }
0x47: {  	_ =	shalt  }
0x48: {  	_ =	shalt  }
0x49: {  	_ =	shalt  }
0x4a: {  	_ =	shalt  }
0x4b: {  	_ =	shalt  }
0x4c: {  	_ =	shalt  }
0x4d: {  	_ =	shalt  }
0x4e: {  	_ =	shalt  }
0x4f: {  	_ =	shalt  }
0x50: {  	_ =	shalt  }
0x51: {  	_ =	shalt  }
0x52: {  	_ =	shalt  }
0x53: {  	_ =	shalt  }
0x54: {  	_ =	shalt  }
0x55: {  	_ =	shalt  }
0x56: {  	_ =	shalt  }
0x57: {  	_ =	shalt  }
0x58: {  	_ =	shalt  }
0x59: {  	_ =	shalt  }
0x5a: {  	_ =	shalt  }
0x5b: {  	_ =	shalt  }
0x5c: {  	_ =	shalt  }
0x5d: {  	_ =	shalt  }
0x5e: {  	_ =	shalt  }
0x5f: {  	_ =	shalt  }
0x60: {  	_ =	shalt  }
0x61: {  	_ =	shalt  }
0x62: {  	_ =	shalt  }
0x63: {  	_ =	shalt  }
0x64: {  	_ =	shalt  }
0x65: {  	_ =	shalt  }
0x66: {  	_ =	shalt  }
0x67: {  	_ =	shalt  }
0x68: {  	_ =	shalt  }
0x69: {  	_ =	shalt  }
0x6a: {  	_ =	shalt  }
0x6b: {  	_ =	shalt  }
0x6c: {  	_ =	shalt  }
0x6d: {  	_ =	shalt  }
0x6e: {  	_ =	shalt  }
0x6f: {  	_ =	shalt  }
0x70: {  	_ =	shalt  }
0x71: {  	_ =	shalt  }
0x72: {  	_ =	shalt  }
0x73: {  	_ =	shalt  }
0x74: {  	_ =	shalt  }
0x75: {  	_ =	shalt  }
0x76: {  	_ =	shalt  }
0x77: {  	_ =	shalt  }
0x78: {  	_ =	shalt  }
0x79: {  	_ =	shalt  }
0x7a: {  	_ =	shalt  }
0x7b: {  	_ =	shalt  }
0x7c: {  	_ =	shalt  }
0x7d: {  	_ =	shalt  }
0x7e: {  	_ =	shalt  }
0x7f: {  	_ =	shalt  }
0x80: {  	_ =	shalt  }
0x81: {  	_ =	shalt  }
0x82: {  	_ =	shalt  }
0x83: {  	_ =	shalt  }
0x84: {  	_ =	shalt  }
0x85: {  	_ =	shalt  }
0x86: {  	_ =	shalt  }
0x87: {  	_ =	shalt  }
.Lfunc_end0:
.L_simem_size_0:
called_computation.2_lowered:
.L_overlay_start_0:
0x88: {  	s2 =	sld [smem:$0x3FD9]  }
0x89: {  	s3 =	sld [smem:$0x3FFE];
	_ =	sdelay $0x1  }
0x8a: {  	s1 =	srdreg.scid  }
0x8b: {  	s0 =	sand.u32 $0x1, s1  }
0x8c: {  	s17 =	sshll.u32 s0, $0xA;
	s2 =	sadd.s32 s3, s2  }
0x8d: {  	s2 =	sadd.s32 s2, s17  }
0x8e: {  	[smem:$0x3FC3] =	sst s2  }
0x8f: {  	_ = 	snop  }
0x90: {  	s2 =	sld [smem:$0x3FD0];
	(tm) =	ssettm $0x1  }
0x91: {  	s18 =	sld [smem:$0x3FFB];
	_ =	sdelay $0x3  }
0x92: {  	_ =	strace s18  }
0x93: {  	s3 =	sld [smem:$0x3FFC];
	_ =	sdelay $0x3  }
0x94: {  	_ =	strace s3  }
0x95: {  	s3 =	sld [smem:$0x3FFD];
	_ =	sdelay $0x3  }
0x96: {  	_ =	strace s3  }
0x97: {  	_ =	strace $0x8FFFFFFF  }
0x98: {  	s19 =	sld [smem:$0x3FDB];
	_ =	sdelay $0x1  }
0x99: {  	s4 =	simm.s32 $_scs_section_size  }
0x9a: {  	s5 =	simm.s32 $_size__tile_overlayer_lowered;
	s6 =	simm.s32 $_tile_overlayer_lowered  }
0x9b: {  	s22 =	simm.s32 $0x1BFF;
	s21 =	sshll.u32 s6, $0x1;
	s3 =	sadd.s32 s4, s19  }
0x9c: {  	s7 =	simm.s32 $0x0;
	s20 =	sshll.u32 s5, $0x1;
	s5 =	sadd.s32 s21, s3  }
0x9d: {  	[timem:s7], [sflag:s22] =	dma.local [hbm:s5], s20  }
0x9e: {  	_ =	swait.ge [sflag:s22], s20  }
0x9f: {  	s4 =	ssub.s32 $0x0, s20;
	[sflag:s22] =	ssyncset.done $0x0  }
0xa0: {  	[sflag:s22] =	ssyncadd.s32 s4;
	_ =	sdelay $0x1  }
0xa1: {  	s23 =	simm.s32 $0x1B8B  }
0xa2: {  	_ =	swait.ge [sflag:s23], $0x1  }
0xa3: {  	[sflag:s23] =	ssyncset.done $0x0  }
0xa4: {  	s25 =	simm.s32 $0x1B8E;
	s24 =	sld [smem:$0x3FFE];
	[sflag:s23] =	ssyncadd.s32 $0xFFFFFFFF  }
0xa5: {  	s26 =	simm.s32 $execute0_lowered;
	[smem:$0x3FD2] =	sst s25  }
0xa6: {  	s5 =	sshll.u32 s26, $0x1;
	_ =	strace $0x8000004C;
	[dreg:$0x1] =	wrdreg $0xFFFFFFFF  }
0xa7: {  	s28 =	simm.s32 $_size_execute0_lowered;
	s3 =	sadd.s32 s3, s5;
	[dreg:$0x0] =	wrdreg $0x0  }
0xa8: {  	s5 =	sshll.u32 s28, $0x1;
	[dreg:$0x2] =	wrdreg s3  }
0xa9: {  	[dreg:$0x3] =	wrdreg s5  }
0xaa: {  	[dreg:$0x4] =	wrdreg $0xC0  }
0xab: {  	_ =	task [dreg:s7], $0x5FFFF  }
0xac: {  	[dreg:$0x1] =	wrdreg $0xFFFFFFFF  }
0xad: {  	[dreg:$0x0] =	wrdreg $0x60  }
0xae: {  	[dreg:$0x2] =	wrdreg s24  }
0xaf: {  	[dreg:$0x3] =	wrdreg s2  }
0xb0: {  	[dreg:$0x4] =	wrdreg $0xA9000  }
0xb1: {  	[dreg:$0x5] =	wrdreg $0x9  }
0xb2: {  	_ =	task.clear_ibuf [dreg:s7], $0x6FFFF;
	_ =	strace $0x9000004C  }
0xb3: {  	s29 =	simm.s32 $0x9;
	_ =	strace $0x8000004E  }
0xb4: {  	_ =	swait.ge [sflag:s29], $0x1  }
0xb5: {  	[sflag:s29] =	ssyncadd.s32 $0xFFFFFFFF  }
0xb6: {  	_ =	strace $0x9000004E  }
0xb7: {  	_ =	sfence  }
0xb8: {  	s30 =	sld [smem:$0x0];
	_ =	sdelay $0x2  }
0xb9: {  	s31 =	sshll.u32 s1, $0xD;
	s1 =	sshrl.u32 s1, $0x2  }
0xba: {  	s3 =	sand.u32 $0x4000, s31;
	s1 =	sadd.s32 s1, s30  }
0xbb: {  	s0 =	sor.u32 s3, s0;
	s1 =	sshll.u32 s1, $0x11  }
0xbc: {  	s0 =	sor.u32 s1, s0  }
0xbd: {  	s0 =	sadd.s32 $0x8F2B, s0  }
0xbe: {  	[sflag:s0] =	ssyncadd.remote.s32 $0x1  }
0xbf: {  	_ =	sfence.sel $0xFFFF  }
0xc0: {  	[dreg:$0x0] =	wrdreg $0xFFFFFFFF;
	(pc) =	sbr.abs _section_cstart, $3  }
0xc1: {  	[dreg:$0x1] =	wrdreg $0xFFFFFFFF  }
0xc2: {  	_ =	task.clear_ibuf [dreg:s7], $0x2FFFF;
	_ =	strace $0x9FFFFFFF  }
0xc3: {  	(tm) =	ssettm $0x7FFFFFFF  }
tec
execute0_lowered:
.L_overlay_start_1:
0x0: {  	(tag) =	ssettag $0x1  }
0x1: {  	s7 =	rddreg [dreg:$0x0]  }
0x2: {  	s1 =	srdreg.scid;
	s10 =	rddreg [dreg:$0x1]  }
0x3: {  	s0 =	stileid.u32;
	s2 =	rddreg [dreg:$0x2]  }
0x4: {  	s3 =	simm.s32 $0x0;
	s16 =	simm.s32 $0x80;
	s17 =	simm.s32 $0x2900  }
0x5: {  	s18 =	simm.s32 $0x6900;
	s19 =	simm.s32 $0x3;
	s20 =	simm.s32 $0x1  }
0x6: {  	s21 =	simm.s32 $0x4;
	s22 =	simm.s32 $0x2;
	s23 =	simm.s32 $0x0  }
0x7: {  	s8 =	sand.u32 $0x1, s1;
	s30 =	sshll.u32 s0, $0x1;
	s1 =	rddreg [dreg:$0x3]  }
0x8: {  	[smem:$0x7FF] =	sst s3;
	s11 =	smul.u32 $0x13C00, s0;
	s6 =	sadd.s32 $0x3DE00, s7  }
0x9: {  	s13 =	smul.u32 $0x4F000, s0;
	s31 =	sshll.u32 s0, $0x6;
	s4 =	sor.u32 s8, s30  }
0xa: {  	_ =	strace $0x8000004D;
	s12 =	ssub.s32 $0x2, s8;
	s8 =	smul.u32 $0x13C000, s8  }
0xb: {  	s4 =	smul.u32 $0x2800, s4;
	s15 =	sshrl.u32 s12, $0x1;
	s13 =	sshrl.u32 s13, $0x2  }
0xc: {  	s14 =	sshrl.u32 s11, $0x3;
	s12 =	ssub.s32 s12, s15;
	s13 =	sadd.s32 s13, s2  }
0xd: {  	s11 =	sadd.s32 s11, s8;
	s8 =	sor.u32 $0x1C05, s31;
	s5 =	sshrl.u32 s4, $0x3  }
0xe: {  	s15 =	simm.s32 $0x2880;
	s11 =	sshrl.u32 s11, $0x3;
	s9 =	sadd.s32 s5, s7  }
0xf: {  	s5 =	sadd.s32 $0x1E00, s7;
	s7 =	sadd.s32 s14, s7;
	s10 =	sadd.s32 s10, s11  }
0x10: {  	s11 =	smax.u32 s12, $0x1;
	s12 =	sshrl.u32 s13, $0x3;
	s13 =	simm.s32 $0x5  }
0x11: {  	s14 =	simm.s32 $0x2800;
	s7 =	sadd.s32 $0xC600, s7;
	s9 =	sadd.s32 $0x33E00, s9  }
.LBB2_1:
0x12: {  	[spmem:s12], [sflag:s8] =	dma.local [hbm:s7], $0x2780  }
0x13: {  	_ =	swait.ge [sflag:s13], $0x2780  }
0x14: {  	s24 =	simm.s32 $0x0;
	[sflag:s13] =	ssyncset.done $0x0  }
0x15: {  	s25 =	sand.u32 $0x3C00, s24;
	[sflag:s13] =	ssyncadd.s32 $0xFFFFD880  }
0x16: {  	[tilespmem:s3], [sflag:$0x5] =	stream.linear.gather [hbm4b:s9+s3], $0x2800, $0x38;
	[tilespmem:$0x1E500] =	vst v63  }
0x17: {  	s24 =	sand.u32 $0x300, s24;
	s25 =	sadd.s32 s4, s25;
	_ =	swait.ge [sflag:s13], $0x2800  }
0x18: {  	s26 =	sand.u32 $0x380, s16;
	s24 =	sor.u32 s24, s25;
	[sflag:s13] =	ssyncset.done $0x0  }
0x19: {  	s25 =	sor.u32 s25, s26;
	s24 =	sshrl.u32 s24, $0x3;
	[sflag:s13] =	ssyncadd.s32 $0xFFFFD800  }
0x1a: {  	s25 =	sshrl.u32 s25, $0x3;
	s24 =	sadd.s32 s5, s24;
	[bflag:$0x0] =	sbarrier.arrive $0xFFFF  }
0x1b: {  	[tilespmem:s14], [sflag:$0x1] =	stream.linear.gather [hbm4b:s24+s3], $0x80, $0x38;
	[tilespmem:$0x1E500] =	vst v63  }
0x1c: {  	s29 =	sadd.s32 s5, s25  }
0x1d: {  	[tilespmem:s15], [sflag:$0x2] =	stream.linear.gather [hbm4b:s29+s3], $0x80, $0x38;
	[tilespmem:$0x1E500] =	vst v63  }
0x1e: {  	_ = 	snop  }
0x1f: {  	[tilespmem:s17], [sflag:$0x3] =	stream.indirect.gather [hbm4b:s6+s16], $0x80, s3, s16, $0xb8;
	[tilespmem:$0x1E500] =	vst v63  }
0x20: {  	s30 =	simm.s32 $0x80  }
0x21: {  	[tilespmem:s18], [sflag:$0x4] =	stream.indirect.gather [hbm4b:s6+s16], $0x80, s30, s16, $0xb8;
	[tilespmem:$0x1E500] =	vst v63  }
0x22: {  	_ =	swait.ge [sflag:s19], $0x4000  }
0x23: {  	[sflag:s19] =	ssyncset.done $0x0  }
0x24: {  	[sflag:s19] =	ssyncadd.s32 $0xFFFFC000  }
0x25: {  	_ =	swait.ge [sflag:s20], $0x80  }
0x26: {  	[sflag:s20] =	ssyncset.done $0x0  }
0x27: {  	[sflag:s20] =	ssyncadd.s32 $0xFFFFFF80  }
0x28: {  	[spmem:s2] =	stream.indirect.scatter.add.f32 [tilespmem:s17], [sflag:$0x5], $0x80, s14, s16, $0xb8;
	[tilespmem:$0x1E500] =	vst v63  }
0x29: {  	_ =	swait.ge [sflag:s13], $0x4000  }
0x2a: {  	[sflag:s13] =	ssyncset.done $0x0  }
0x2b: {  	[sflag:s13] =	ssyncadd.s32 $0xFFFFC000  }
0x2c: {  	s31 =	simm.s32 $0x180;
	s28 =	simm.s32 $0x100;
	_ =	swait.ge [sflag:s21], $0x4000  }
0x2d: {  	s26 =	sand.u32 $0x380, s31;
	s25 =	simm.s32 $0x280;
	[sflag:s21] =	ssyncset.done $0x0  }
0x2e: {  	s24 =	simm.s32 $0x100;
	s29 =	sand.u32 $0x3C00, s28;
	[sflag:s21] =	ssyncadd.s32 $0xFFFFC000  }
0x2f: {  	s28 =	sand.u32 $0x300, s28;
	s29 =	sadd.s32 s4, s29;
	_ =	swait.ge [sflag:s22], $0x80  }
0x30: {  	s28 =	sor.u32 s28, s29;
	s26 =	sor.u32 s29, s26;
	[sflag:s22] =	ssyncset.done $0x0  }
0x31: {  	s28 =	sshrl.u32 s28, $0x3;
	s26 =	sshrl.u32 s26, $0x3;
	[sflag:s22] =	ssyncadd.s32 $0xFFFFFF80  }
.LBB2_2:
0x32: {  	[spmem:s2] =	stream.indirect.scatter.add.f32 [tilespmem:s18], [sflag:$0x5], $0x80, s15, s16, $0xb8;
	[tilespmem:$0x1E500] =	vst v63  }
0x33: {  	s29 =	smov.u32 s25  }
0x34: {  	p0 =	sne.s32 s25, $0x2780;
	s25 =	sadd.s32 $0x100, s25;
	_ =	swait.ge [sflag:s13], $0x4000  }
0x35: {  	[sflag:s13] =	ssyncset.done $0x0  }
0x36: {  	s28 =	sadd.s32 s5, s28;
	[sflag:s13] =	ssyncadd.s32 $0xFFFFC000  }
0x37: {  	[tilespmem:s14], [sflag:$0x1] =	stream.linear.gather [hbm4b:s28+s3], $0x80, $0x38;
	[tilespmem:$0x1E500] =	vst v63  }
0x38: {  	s26 =	sadd.s32 s5, s26  }
0x39: {  	[tilespmem:s15], [sflag:$0x2] =	stream.linear.gather [hbm4b:s26+s3], $0x80, $0x38;
	[tilespmem:$0x1E500] =	vst v63  }
0x3a: {  	_ = 	snop  }
0x3b: {  	[tilespmem:s17], [sflag:$0x3] =	stream.indirect.gather [hbm4b:s6+s16], $0x80, s24, s16, $0xb8;
	[tilespmem:$0x1E500] =	vst v63  }
0x3c: {  	s26 =	sadd.s32 $0x80, s24  }
0x3d: {  	[tilespmem:s18], [sflag:$0x4] =	stream.indirect.gather [hbm4b:s6+s16], $0x80, s26, s16, $0xb8;
	[tilespmem:$0x1E500] =	vst v63  }
0x3e: {  	_ =	swait.ge [sflag:s19], $0x4000  }
0x3f: {  	[sflag:s19] =	ssyncset.done $0x0  }
0x40: {  	[sflag:s19] =	ssyncadd.s32 $0xFFFFC000  }
0x41: {  	_ =	swait.ge [sflag:s20], $0x80  }
0x42: {  	[sflag:s20] =	ssyncset.done $0x0  }
0x43: {  	[sflag:s20] =	ssyncadd.s32 $0xFFFFFF80  }
0x44: {  	[spmem:s2] =	stream.indirect.scatter.add.f32 [tilespmem:s17], [sflag:$0x5], $0x80, s14, s16, $0xb8;
	[tilespmem:$0x1E500] =	vst v63  }
0x45: {  	_ =	swait.ge [sflag:s13], $0x4000  }
0x46: {  	[sflag:s13] =	ssyncset.done $0x0  }
0x47: {  	[sflag:s13] =	ssyncadd.s32 $0xFFFFC000  }
0x48: {  	s24 =	sadd.s32 $0x100, s24;
	_ =	swait.ge [sflag:s21], $0x4000  }
.Ltmp0:
0x49: {  	s26 =	sadd.s32 $0xFFFFFF80, s29;
	[sflag:s21] =	ssyncset.done $0x0;
	(pc) =	sbr.rel @p0 .LBB2_2-.Ltmp0, $4  }
0x4a: {  	s29 =	sand.u32 $0x380, s29;
	s28 =	sand.u32 $0x3C00, s26;
	[sflag:s21] =	ssyncadd.s32 $0xFFFFC000  }
0x4b: {  	s26 =	sand.u32 $0x300, s26;
	s28 =	sadd.s32 s4, s28;
	_ =	swait.ge [sflag:s22], $0x80  }
0x4c: {  	s26 =	sor.u32 s26, s28;
	s29 =	sor.u32 s28, s29;
	[sflag:s22] =	ssyncset.done $0x0  }
0x4d: {  	s28 =	sshrl.u32 s26, $0x3;
	s26 =	sshrl.u32 s29, $0x3;
	[sflag:s22] =	ssyncadd.s32 $0xFFFFFF80  }
0x4e: {  	[spmem:s2] =	stream.indirect.scatter.add.f32 [tilespmem:s18], [sflag:$0x5], $0x80, s15, s16, $0xb8;
	[tilespmem:$0x1E500] =	vst v63  }
0x4f: {  	_ =	swait.ge [sflag:s13], $0x4000  }
0x50: {  	[sflag:s13] =	ssyncset.done $0x0  }
0x51: {  	s25 =	sadd.s32 s5, s28;
	[sflag:s13] =	ssyncadd.s32 $0xFFFFC000  }
0x52: {  	[tilespmem:s14], [sflag:$0x1] =	stream.linear.gather [hbm4b:s25+s3], $0x80, $0x38;
	[tilespmem:$0x1E500] =	vst v63  }
0x53: {  	s30 =	sadd.s32 s5, s26  }
0x54: {  	[tilespmem:s15], [sflag:$0x2] =	stream.linear.gather [hbm4b:s30+s3], $0x80, $0x38;
	[tilespmem:$0x1E500] =	vst v63  }
0x55: {  	_ = 	snop  }
0x56: {  	[tilespmem:s17], [sflag:$0x3] =	stream.indirect.gather [hbm4b:s6+s16], $0x80, s24, s16, $0xb8;
	[tilespmem:$0x1E500] =	vst v63  }
0x57: {  	s31 =	sadd.s32 $0x80, s24  }
0x58: {  	[tilespmem:s18], [sflag:$0x4] =	stream.indirect.gather [hbm4b:s6+s16], $0x80, s31, s16, $0xb8;
	[tilespmem:$0x1E500] =	vst v63  }
0x59: {  	_ =	swait.ge [sflag:s19], $0x4000  }
0x5a: {  	[sflag:s19] =	ssyncset.done $0x0  }
0x5b: {  	[sflag:s19] =	ssyncadd.s32 $0xFFFFC000  }
0x5c: {  	_ =	swait.ge [sflag:s20], $0x80  }
0x5d: {  	[sflag:s20] =	ssyncset.done $0x0  }
0x5e: {  	[sflag:s20] =	ssyncadd.s32 $0xFFFFFF80  }
0x5f: {  	[spmem:s2] =	stream.indirect.scatter.add.f32 [tilespmem:s17], [sflag:$0x5], $0x80, s14, s16, $0xb8;
	[tilespmem:$0x1E500] =	vst v63  }
0x60: {  	_ =	swait.ge [sflag:s13], $0x4000  }
0x61: {  	[sflag:s13] =	ssyncset.done $0x0  }
0x62: {  	[sflag:s13] =	ssyncadd.s32 $0xFFFFC000  }
0x63: {  	_ =	swait.ge [sflag:s21], $0x4000  }
0x64: {  	[sflag:s21] =	ssyncset.done $0x0  }
0x65: {  	[sflag:s21] =	ssyncadd.s32 $0xFFFFC000  }
0x66: {  	_ =	swait.ge [sflag:s22], $0x80  }
0x67: {  	[sflag:s22] =	ssyncset.done $0x0  }
0x68: {  	[sflag:s22] =	ssyncadd.s32 $0xFFFFFF80  }
0x69: {  	[spmem:s2] =	stream.indirect.scatter.add.f32 [tilespmem:s18], [sflag:$0x5], $0x80, s15, s16, $0xb8;
	[tilespmem:$0x1E500] =	vst v63  }
0x6a: {  	_ =	swait.ge [sflag:s13], $0x4000  }
0x6b: {  	s23 =	sadd.s32 $0x1, s23;
	[sflag:s13] =	ssyncset.done $0x0  }
0x6c: {  	p0 =	sne.s32 s23, s11;
	[sflag:s13] =	ssyncadd.s32 $0xFFFFC000  }
.Ltmp1:
0x6d: {  	[bflag:$0x0] =	sbarrier.arrive $0xFFFF;
	(pc) =	sbr.rel @p0 .LBB2_1-.Ltmp1, $4  }
0x6e: {  	[hbm:s10], [sflag:s8] =	dma.local [spmem:s12], $0x2780  }
0x6f: {  	_ =	swait.ge [sflag:s13], $0x2780  }
0x70: {  	[sflag:s13] =	ssyncset.done $0x0  }
0x71: {  	[sflag:s13] =	ssyncadd.s32 $0xFFFFD880  }
0x72: {  	_ =	sfence.sel $0x180000  }
0x73: {  	[bflag:$0x0] =	sbarrier.arrive $0xFFFF  }
0x74: {  	p0 =	sne.s32 s0, $0x0;
	_ =	strace $0x9000004D  }
0x75: {  	s0 =	sadd.s32 @!p0 $0x100000, s1;
	[bflag:$0x2] =	sbarrier.arrive $0xFFFF  }
0x76: {  	[sflag:s0] =	ssyncadd.tile.s32 @!p0 $0x1;
	_ =	shalt  }
.Lfunc_end2:
_tile_overlayer_lowered:
.L_overlay_start_2:
0x77: {  	(tag) =	ssettag $0x2  }
0x78: {  	s0 =	rddreg [dreg:$0x0];
	s2 =	stileid.u32  }
0x79: {  	s1 =	rddreg [dreg:$0x1];
	p0 =	sne.s32 s2, $0x0  }
0x7a: {  	s3 =	rddreg [dreg:$0x2];
	[bflag:$0x3] =	sbarrier.arrive $0xFFFF;
	s2 =	simm.s32 @!p0 $0x1C05  }
0x7b: {  	[timem:s3], [sflag:s2] =	dma.local @!p0 [hbm:s0], s1  }
0x7c: {  	s0 =	simm.s32 @!p0 $0x5  }
0x7d: {  	_ =	swait.ge @!p0 [sflag:s0], s1  }
0x7e: {  	s1 =	ssub.s32 @!p0 $0x0, s1;
	[sflag:s0] =	ssyncset.done @!p0 $0x0  }
0x7f: {  	[sflag:s0] =	ssyncadd.s32 @!p0 s1  }
0x80: {  	[bflag:$0x3] =	sbarrier.arrive $0xFFFF  }
0x81: {  	_ =	shalt  }

</sc_bundles>
